<compile_context>
chip_gen: v7x
topology: tpu7x:2x2x1
jax: 0.10.2.dev20260603
libtpu: 0.0.44.dev20260713+nightly
codegen_flags: <defaults>
</compile_context>

<pallas_src>
import functools

import jax
import jax.numpy as jnp
from jax import lax
from jax.experimental import pallas as pl
from jax.experimental.pallas import tpu as pltpu
from jax.experimental.pallas import tpu_sc as plsc

N_NODES = 100000
N_EDGES = 100000
D = 256
H = 4

NC = 2
NS = 16
L = 16
NW = NC * NS

CHUNK = 3200
EPAD = NW * CHUNK
SUB = 128
NSUB = CHUNK // SUB
NP2 = 50176
NPT2 = NP2 // NS
NRO = NPT2 // 16
NB = 3

_mesh = plsc.VectorSubcoreMesh(core_axis_name="c", subcore_axis_name="s")
_sc_params = pltpu.CompilerParams(
    needs_layout_passes=False, use_tc_tiling_on_sc=False)
_sc_params_tc_tiled = pltpu.CompilerParams(needs_layout_passes=False)


_B1 = 2000


def _rne16(b):
    return (b + 0x7FFF + ((b >> 16) & 1)) >> 16


def _k1_body(x_ref, m_ref, o_ref, xb_ref):
    xv = x_ref[...]
    o_ref[...] = jnp.dot(xv, m_ref[...],
                         preferred_element_type=jnp.float32)
    lo = _rne16(pltpu.bitcast(xv[:, :D // 2], jnp.uint32))
    hi = _rne16(pltpu.bitcast(xv[:, D // 2:], jnp.uint32))
    xb_ref[...] = lo | (hi << 16)


_k1 = pl.pallas_call(
    _k1_body,
    grid=(N_NODES // _B1,),
    in_specs=[
        pl.BlockSpec((_B1, D), lambda i: (i, 0)),
        pl.BlockSpec((D, 2 * H), lambda i: (0, 0)),
    ],
    out_specs=(
        pl.BlockSpec((_B1, 2 * H), lambda i: (i, 0)),
        pl.BlockSpec((_B1, D // 2), lambda i: (i, 0)),
    ),
    out_shape=(
        jax.ShapeDtypeStruct((N_NODES, 2 * H), jnp.float32),
        jax.ShapeDtypeStruct((N_NODES, D // 2), jnp.uint32),
    ),
)


@functools.partial(
    pl.kernel,
    out_type=(
        jax.ShapeDtypeStruct((EPAD, 2 * H), jnp.float32),
        jax.ShapeDtypeStruct((2 * NP2, 2 * H), jnp.float32),
    ),
    mesh=_mesh,
    compiler_params=_sc_params,
    scratch_types=[
        pltpu.VMEM((CHUNK,), jnp.int32),
        pltpu.VMEM((CHUNK,), jnp.int32),
        pltpu.VMEM((NSUB, SUB), jnp.int32),
        pltpu.VMEM((CHUNK, 2 * H), jnp.float32),
        pltpu.VMEM((CHUNK, 2 * H), jnp.float32),
        pltpu.VMEM((CHUNK, 2 * H), jnp.float32),
        pltpu.VMEM((NRO, 2 * H), jnp.float32),
        pltpu.VMEM_SHARED((NP2, 2 * H), jnp.float32),
        pltpu.SemaphoreType.DMA,
        pltpu.SemaphoreType.DMA,
    ],
)
def _k2(pq_hbm, row_hbm, col_hbm, zeros_hbm, g2_hbm, z_hbm,
        idx_r, idx_c, idx_h, pr, qc, g2v8, znode, zsh, sem, sem2):
    cid = lax.axis_index("c")
    sid = lax.axis_index("s")
    wid = cid * NS + sid
    base = pl.multiple_of(wid * CHUNK, SUB)
    nb = pl.multiple_of(sid * NPT2, 8)

    def _zero(k, carry):
        off = pl.multiple_of(nb + k * NRO, 8)
        pltpu.sync_copy(zeros_hbm.at[pl.ds(off, NRO)], znode)
        pltpu.sync_copy(znode, zsh.at[pl.ds(off, NRO)])
        return carry

    lax.fori_loop(0, 16, _zero, 0)
    pltpu.sync_copy(zeros_hbm.at[pl.ds(0, CHUNK)], g2v8)

    pltpu.sync_copy(row_hbm.at[pl.ds(base, CHUNK)], idx_r)
    pltpu.sync_copy(col_hbm.at[pl.ds(base, CHUNK)], idx_c)

    def _fire(i, carry):
        sl = pl.ds(i * SUB, SUB)
        pltpu.async_copy(pq_hbm.at[idx_r.at[sl]], pr.at[sl], sem)
        pltpu.async_copy(pq_hbm.at[idx_c.at[sl]], qc.at[sl], sem)
        return carry

    def _drain(i, carry):
        sl = pl.ds(i * SUB, SUB)
        pltpu.make_async_copy(pq_hbm.at[idx_r.at[sl]], pr.at[sl], sem).wait()
        pltpu.make_async_copy(pq_hbm.at[idx_c.at[sl]], qc.at[sl], sem).wait()
        return carry

    lax.fori_loop(0, NSUB, _fire, 0)
    plsc.subcore_barrier()
    lax.fori_loop(0, NSUB, _drain, 0)

    iot = jnp.arange(L, dtype=jnp.int32)

    def _compute(j, carry):
        evec = j * L + iot
        s = []
        for h in range(H):
            a = plsc.load_gather(pr, [evec, jnp.full((L,), h, jnp.int32)])
            q = plsc.load_gather(qc, [evec, jnp.full((L,), H + h, jnp.int32)])
            t = a + q
            s.append(jnp.where(t >= 0.0, t, 0.01 * t))
        m = jnp.maximum(jnp.maximum(s[0], s[1]), jnp.maximum(s[2], s[3]))
        e = [jnp.exp(sh - m) for sh in s]
        den = (e[0] + e[1]) + (e[2] + e[3])
        valid = (base + evec) < N_EDGES
        rv = plsc.load_gather(idx_r, [evec])
        plsc.store_scatter(idx_h, [lax.shift_right_logical(evec, 7),
                                   evec & (SUB - 1)],
                           lax.shift_right_logical(rv, 1))
        halfoff = (rv & 1) * H
        for h in range(H):
            g2h = jnp.exp(e[h] / den)
            g2h = jnp.where(valid, g2h, 0.0)
            plsc.store_scatter(g2v8, [evec, halfoff + h], g2h)
        return carry

    lax.fori_loop(0, CHUNK // L, _compute, 0)

    pltpu.async_copy(g2v8, g2_hbm.at[pl.ds(base, CHUNK)], sem2)

    def _scat_fire(i, carry):
        pltpu.async_copy(g2v8.at[pl.ds(i * SUB, SUB)],
                         zsh.at[idx_h.at[i]], sem, add=True)
        return carry

    def _scat_drain(i, carry):
        pltpu.make_async_copy(g2v8.at[pl.ds(i * SUB, SUB)],
                              zsh.at[idx_h.at[i]], sem).wait()
        return carry

    lax.fori_loop(0, NSUB, _scat_fire, 0)
    lax.fori_loop(0, NSUB, _scat_drain, 0)
    pltpu.make_async_copy(g2v8, g2_hbm.at[pl.ds(base, CHUNK)], sem2).wait()
    plsc.subcore_barrier()

    def _readout(k, carry):
        off = pl.multiple_of(nb + k * NRO, 8)
        dst = pl.multiple_of(cid * NP2 + off, 8)
        pltpu.sync_copy(zsh.at[pl.ds(off, NRO)], znode)
        pltpu.sync_copy(znode, z_hbm.at[pl.ds(dst, NRO)])
        return carry

    lax.fori_loop(0, 16, _readout, 0)


@functools.partial(
    pl.kernel,
    out_type=(
        jax.ShapeDtypeStruct((EPAD, 2 * H), jnp.float32),
        jax.ShapeDtypeStruct((EPAD, 2 * H), jnp.float32),
    ),
    mesh=_mesh,
    compiler_params=_sc_params,
    scratch_types=[
        pltpu.VMEM((CHUNK,), jnp.int32),
        pltpu.VMEM((CHUNK,), jnp.int32),
        pltpu.VMEM((CHUNK,), jnp.int32),
        pltpu.VMEM((CHUNK, 2 * H), jnp.float32),
        pltpu.VMEM((CHUNK, 2 * H), jnp.float32),
        pltpu.SemaphoreType.DMA,
    ],
)
def _k3a(row_hbm, z_hbm, zp0_hbm, zp1_hbm,
         idx_r, idx_h1, idx_h2, zp0v, zp1v, sem):
    cid = lax.axis_index("c")
    sid = lax.axis_index("s")
    wid = cid * NS + sid
    base = pl.multiple_of(wid * CHUNK, SUB)

    pltpu.sync_copy(row_hbm.at[pl.ds(base, CHUNK)], idx_r)
    iot = jnp.arange(L, dtype=jnp.int32)

    def _half(j, carry):
        evec = j * L + iot
        rv = plsc.load_gather(idx_r, [evec])
        hv = lax.shift_right_logical(rv, 1)
        plsc.store_scatter(idx_h1, [evec], hv)
        plsc.store_scatter(idx_h2, [evec], hv + NP2)
        return carry

    lax.fori_loop(0, CHUNK // L, _half, 0)

    def _fire(i, carry):
        sl = pl.ds(i * SUB, SUB)
        pltpu.async_copy(z_hbm.at[idx_h1.at[sl]], zp0v.at[sl], sem)
        pltpu.async_copy(z_hbm.at[idx_h2.at[sl]], zp1v.at[sl], sem)
        return carry

    def _drain(i, carry):
        sl = pl.ds(i * SUB, SUB)
        pltpu.make_async_copy(z_hbm.at[idx_h1.at[sl]], zp0v.at[sl], sem).wait()
        pltpu.make_async_copy(z_hbm.at[idx_h2.at[sl]], zp1v.at[sl], sem).wait()
        return carry

    lax.fori_loop(0, NSUB, _fire, 0)
    lax.fori_loop(0, NSUB, _drain, 0)
    pltpu.sync_copy(zp0v, zp0_hbm.at[pl.ds(base, CHUNK)])
    pltpu.sync_copy(zp1v, zp1_hbm.at[pl.ds(base, CHUNK)])


@functools.partial(
    pl.kernel,
    out_type=jax.ShapeDtypeStruct((EPAD, D // 2), jnp.uint32),
    mesh=_mesh,
    compiler_params=_sc_params_tc_tiled,
    scratch_types=[
        pltpu.VMEM((CHUNK,), jnp.int32),
        pltpu.VMEM((NB, SUB, D // 2), jnp.uint32),
        pltpu.SemaphoreType.DMA,
        pltpu.SemaphoreType.DMA,
    ],
)
def _k3b(col_hbm, xb_hbm, xc_hbm, idx_c, xbuf, gsem, wsem):
    cid = lax.axis_index("c")
    sid = lax.axis_index("s")
    wid = cid * NS + sid
    base = pl.multiple_of(wid * CHUNK, SUB)

    pltpu.sync_copy(col_hbm.at[pl.ds(base, CHUNK)], idx_c)

    def _g_src(i):
        return xb_hbm.at[idx_c.at[pl.ds(i * SUB, SUB)]]

    def _w_dst(i):
        return xc_hbm.at[pl.ds(base + i * SUB, SUB)]

    for p in range(NB - 1):
        pltpu.async_copy(_g_src(p), xbuf.at[p], gsem)

    def _step(i, carry):
        @pl.when(i >= 1)
        def _():
            pltpu.make_async_copy(xbuf.at[(i - 1) % NB], _w_dst(i - 1),
                                  wsem).wait()

        @pl.when(i + NB - 1 < NSUB)
        def _():
            pltpu.async_copy(_g_src(i + NB - 1), xbuf.at[(i + NB - 1) % NB],
                             gsem)

        pltpu.make_async_copy(_g_src(i), xbuf.at[i % NB], gsem).wait()
        pltpu.async_copy(xbuf.at[i % NB], _w_dst(i), wsem)
        return carry

    lax.fori_loop(0, NSUB, _step, 0)
    pltpu.make_async_copy(xbuf.at[(NSUB - 1) % NB], _w_dst(NSUB - 1),
                          wsem).wait()


_B4 = 800


def _k4_body(xc_ref, g2_ref, zp0_ref, zp1_ref, par_ref, x_ref, wt_ref,
             b_ref, o_ref):
    zs = zp0_ref[...] + zp1_ref[...]
    par = par_ref[...]
    den = (1.0 - par) * zs[:, :H] + par * zs[:, H:]
    g2p = g2_ref[...]
    g2 = (1.0 - par) * g2p[:, :H] + par * g2p[:, H:]
    w = g2 / den
    p = xc_ref[...]
    lo_f = pltpu.bitcast(p << 16, jnp.float32)
    hi_f = pltpu.bitcast(p & jnp.uint32(0xFFFF0000), jnp.float32)
    parts = []
    for h in range(H):
        wh = w[:, h:h + 1]
        parts.append((lo_f * wh).astype(jnp.bfloat16))
        parts.append((hi_f * wh).astype(jnp.bfloat16))
    hcat = jnp.concatenate(parts, axis=1)
    acc = jnp.dot(hcat, wt_ref[...], preferred_element_type=jnp.float32)
    o_ref[...] = acc + x_ref[...] + b_ref[...]


_k4 = pl.pallas_call(
    _k4_body,
    grid=(N_EDGES // _B4,),
    in_specs=[
        pl.BlockSpec((_B4, D // 2), lambda i: (i, 0)),
        pl.BlockSpec((_B4, 2 * H), lambda i: (i, 0)),
        pl.BlockSpec((_B4, 2 * H), lambda i: (i, 0)),
        pl.BlockSpec((_B4, 2 * H), lambda i: (i, 0)),
        pl.BlockSpec((_B4, 1), lambda i: (i, 0)),
        pl.BlockSpec((_B4, D), lambda i: (i, 0)),
        pl.BlockSpec((H * D, D), lambda i: (0, 0)),
        pl.BlockSpec((1, D), lambda i: (0, 0)),
    ],
    out_specs=pl.BlockSpec((_B4, D), lambda i: (i, 0)),
    out_shape=jax.ShapeDtypeStruct((N_EDGES, D), jnp.float32),
)


def kernel(x, edge_index, attention, W, b):
    att = attention[0]
    M = jnp.concatenate([att[:, :D].T, att[:, D:].T], axis=1)
    Wt = W.T.astype(jnp.bfloat16)
    b2 = b.reshape(1, D)
    rowp = jnp.pad(edge_index[0], (0, EPAD - N_EDGES))
    colp = jnp.pad(edge_index[1], (0, EPAD - N_EDGES))
    parf = (rowp & 1).astype(jnp.float32).reshape(EPAD, 1)
    zeros = jnp.zeros((NP2, 2 * H), jnp.float32)

    pq, xb = _k1(x, M)
    g2, z = _k2(pq, rowp, colp, zeros)
    zp0, zp1 = _k3a(rowp, z)
    xc = _k3b(colp, xb)
    return _k4(xc, g2, zp0, zp1, parf, x, Wt, b2)

# --- scband reference (transcript-rebuilt; emitter-appended) ---
"""Pipeline reference for scband-gatlayer-66924180406944 (READ-ONLY COPY).

The authoritative reference and input builder live on the scoring server;
editing this copy changes nothing except your own understanding.
"""

import jax, jax.numpy as jnp
import numpy as np

N = 100000
E = 100000
D = 256
H = 4


def setup_inputs(seed: int = 0) -> dict:
    key = jax.random.key(seed)
    k1, k2, k3, k4, k5 = jax.random.split(key, 5)
    x = jax.random.normal(k1, (N, D), dtype=jnp.float32)
    edge_index = jax.random.randint(k2, (2, E), 0, N, dtype=jnp.int32)
    # attention parameter [1, H, 2*D], xavier uniform
    fan = 2 * D
    a = float(np.sqrt(6.0 / (H * fan + 1)))
    attention = jax.random.uniform(k3, (1, H, 2 * D), minval=-a, maxval=a, dtype=jnp.float32)
    # linear: in_features = H*D, out_features = D
    bound = float(1.0 / np.sqrt(H * D))
    W = jax.random.uniform(k4, (D, H * D), minval=-bound, maxval=bound, dtype=jnp.float32)
    b = jax.random.uniform(k5, (D,), minval=-bound, maxval=bound, dtype=jnp.float32)
    return {"x": x, "edge_index": edge_index, "attention": attention, "W": W, "b": b}


def _scatter_softmax(s, seg, num_segments):
    # softmax of s grouped by seg (numerically stable)
    m = jax.ops.segment_max(s, seg, num_segments=num_segments)
    m = jnp.where(jnp.isfinite(m), m, 0.0)  # guard empty segments
    e = jnp.exp(s - m[seg])
    z = jax.ops.segment_sum(e, seg, num_segments=num_segments)
    return e / z[seg]


def reference(x, edge_index, attention, W, b):
    row = edge_index[0]
    col = edge_index[1]
    edge_features = jnp.concatenate([x[row], x[col]], axis=-1)  # [E, 2D]
    scores = (edge_features[:, None, :] * attention).sum(axis=-1)  # [E, H]
    scores = jax.nn.leaky_relu(scores, negative_slope=0.01)
    scores = jax.nn.softmax(scores, axis=1)
    # dropout(p=0.1) is identity in eval mode
    n_nodes = x.shape[0]
    heads = []
    for i in range(scores.shape[1]):
        w = _scatter_softmax(scores[:, i], row, n_nodes)  # [E]
        heads.append(w[:, None] * x[col])  # [E, D]
    h = jnp.concatenate(heads, axis=-1)  # [E, H*D]
    out = h @ W.T + b  # [E, D]
    return out + x  # valid because E == N

if __name__ == "__main__":
    import jax
    _d = setup_inputs()
    print(jax.jit(kernel)(*tuple(_d.values())))

</pallas_src>

<mosaic_0001>
#map = affine_map<(d0, d1) -> (0)>
#map1 = affine_map<(d0, d1) -> (0, 0)>
module attributes {stable_mosaic.version = 14 : i64} {
  func.func @_k3a(%arg0: i32, %arg1: i32, %arg2: memref<102400xi32, #tpu.memory_space<hbm>>, %arg3: memref<100352x8xf32, #tpu.memory_space<hbm>>, %arg4: memref<102400x8xf32, #tpu.memory_space<hbm>>, %arg5: memref<102400x8xf32, #tpu.memory_space<hbm>>, %arg6: memref<3200xi32, #tpu.memory_space<vmem>>, %arg7: memref<3200xi32, #tpu.memory_space<vmem>>, %arg8: memref<3200xi32, #tpu.memory_space<vmem>>, %arg9: memref<3200x8xf32, #tpu.memory_space<vmem>>, %arg10: memref<3200x8xf32, #tpu.memory_space<vmem>>, %arg11: memref<!tpu.dma_semaphore, #tpu.memory_space<semaphore_mem>>) attributes {dimension_semantics = [#tpu.dimension_semantics<core_parallel>, #tpu.dimension_semantics<subcore_parallel>], iteration_bounds = array<i64: 2, 16>, scalar_prefetch = 0 : i64, scratch_operands = 6 : i64, tpu.core_type = #tpu.core_type<sc_vector_subcore>, window_params = [{transform_indices = #map}, {transform_indices = #map1}, {transform_indices = #map1}, {transform_indices = #map1}]} {
    %mul3A = arith.constant 16 : i32
    %mul3A_0 = arith.muli %arg0, %mul3A : i32
    %add3A = arith.addi %mul3A_0, %arg1 : i32
    %mul3A_1 = arith.constant 3200 : i32
    %mul3A_2 = arith.muli %add3A, %mul3A_1 : i32
    %multiple_of3A = tpu.assume_multiple %mul3A_2, 128 : i32
    "tpu.region"() ({
      %run_scoped3A = tpu.sem_alloc : memref<!tpu.dma_semaphore, #tpu.memory_space<semaphore_mem>>
      %dma_start3A = tpu.memref_slice %arg2[%multiple_of3A] : memref<102400xi32, #tpu.memory_space<hbm>> -> memref<3200xi32, #tpu.memory_space<hbm>>
      %dma_start3A_20 = tpu.memref_slice %arg2[%multiple_of3A] : memref<102400xi32, #tpu.memory_space<hbm>> -> memref<3200xi32, #tpu.memory_space<hbm>>
      tpu.enqueue_dma source(%dma_start3A_20 : memref<3200xi32, #tpu.memory_space<hbm>>) target(%arg6 : memref<3200xi32, #tpu.memory_space<vmem>>) target_semaphore(%run_scoped3A : memref<!tpu.dma_semaphore, #tpu.memory_space<semaphore_mem>>)
      %dma_wait3A = tpu.memref_slice %arg2[%multiple_of3A] : memref<102400xi32, #tpu.memory_space<hbm>> -> memref<3200xi32, #tpu.memory_space<hbm>>
      %dma_wait3A_21 = tpu.memref_slice %arg2[%multiple_of3A] : memref<102400xi32, #tpu.memory_space<hbm>> -> memref<3200xi32, #tpu.memory_space<hbm>>
      tpu.wait_dma2 semaphore(%run_scoped3A : memref<!tpu.dma_semaphore, #tpu.memory_space<semaphore_mem>>) src(%dma_wait3A_21 : memref<3200xi32, #tpu.memory_space<hbm>>) dst(%arg6 : memref<3200xi32, #tpu.memory_space<vmem>>)
      tpu.yield
    }) : () -> ()
    %iota3A = tpu.iota {dimensions = array<i32: 0>} : vector<16xi32>
    %scan3A = arith.constant 0 : i32
    %scan3A_3 = arith.constant 0 : i32
    %scan3A_4 = arith.constant 200 : i32
    %scan3A_5 = arith.addi %scan3A_3, %scan3A_4 : i32
    %scan3A_6 = arith.constant 1 : i32
    scf.for %scan3A_20 = %scan3A_3 to %scan3A_5 step %scan3A_6  : i32 {
      %mul3A_21 = arith.constant 16 : i32
      %mul3A_22 = arith.muli %scan3A_20, %mul3A_21 : i32
      %add3A_23 = vector.broadcast %mul3A_22 : i32 to vector<16xi32>
      %add3A_24 = arith.addi %add3A_23, %iota3A : vector<16xi32>
      %gather3A = tpu.vector_load_idx %arg6[%add3A_24] : memref<3200xi32, #tpu.memory_space<vmem>>[vector<16xi32>], vector<16xi32>,
      %shift_right_logical3A = arith.constant 1 : i32
      %shift_right_logical3A_25 = vector.broadcast %shift_right_logical3A : i32 to vector<16xi32>
      %shift_right_logical3A_26 = arith.shrui %gather3A, %shift_right_logical3A_25 : vector<16xi32>
      tpu.vector_store_idx %arg7[%add3A_24], %shift_right_logical3A_26 : memref<3200xi32, #tpu.memory_space<vmem>>[vector<16xi32>], vector<16xi32>,
      %add3A_27 = arith.constant 50176 : i32
      %add3A_28 = vector.broadcast %add3A_27 : i32 to vector<16xi32>
      %add3A_29 = arith.addi %shift_right_logical3A_26, %add3A_28 : vector<16xi32>
      tpu.vector_store_idx %arg8[%add3A_24], %add3A_29 : memref<3200xi32, #tpu.memory_space<vmem>>[vector<16xi32>], vector<16xi32>,
    }
    %scan3A_7 = arith.constant 200 : i32
    %scan3A_8 = arith.constant 0 : i32
    %scan3A_9 = arith.constant 0 : i32
    %scan3A_10 = arith.constant 25 : i32
    %scan3A_11 = arith.addi %scan3A_9, %scan3A_10 : i32
    %scan3A_12 = arith.constant 1 : i32
    scf.for %scan3A_20 = %scan3A_9 to %scan3A_11 step %scan3A_12  : i32 {
      %mul3A_21 = arith.constant 128 : i32
      %mul3A_22 = arith.muli %scan3A_20, %mul3A_21 : i32
      %dma_start3A = arith.constant 0 : i32
      %dma_start3A_23 = tpu.memref_slice %arg9[%mul3A_22, %dma_start3A] : memref<3200x8xf32, #tpu.memory_space<vmem>> -> memref<128x8xf32, #tpu.memory_space<vmem>>
      %dma_start3A_24 = tpu.memref_slice %arg7[%mul3A_22] : memref<3200xi32, #tpu.memory_space<vmem>> -> memref<128xi32, #tpu.memory_space<vmem>>
      %dma_start3A_25 = arith.constant 0 : i32
      %dma_start3A_26 = arith.constant 0 : i32
      %dma_start3A_27 = tpu.memref_slice %arg3[%dma_start3A_25, %dma_start3A_26] : memref<100352x8xf32, #tpu.memory_space<hbm>> -> memref<100352x8xf32, #tpu.memory_space<hbm>>
      tpu.enqueue_indirect_dma source(%dma_start3A_27 : memref<100352x8xf32, #tpu.memory_space<hbm>>) target(%dma_start3A_23 : memref<128x8xf32, #tpu.memory_space<vmem>>) offsets(%dma_start3A_24 : memref<128xi32, #tpu.memory_space<vmem>>) semaphore(%arg11 : memref<!tpu.dma_semaphore, #tpu.memory_space<semaphore_mem>>)
      %dma_start3A_28 = arith.constant 0 : i32
      %dma_start3A_29 = tpu.memref_slice %arg10[%mul3A_22, %dma_start3A_28] : memref<3200x8xf32, #tpu.memory_space<vmem>> -> memref<128x8xf32, #tpu.memory_space<vmem>>
      %dma_start3A_30 = tpu.memref_slice %arg8[%mul3A_22] : memref<3200xi32, #tpu.memory_space<vmem>> -> memref<128xi32, #tpu.memory_space<vmem>>
      %dma_start3A_31 = arith.constant 0 : i32
      %dma_start3A_32 = arith.constant 0 : i32
      %dma_start3A_33 = tpu.memref_slice %arg3[%dma_start3A_31, %dma_start3A_32] : memref<100352x8xf32, #tpu.memory_space<hbm>> -> memref<100352x8xf32, #tpu.memory_space<hbm>>
      tpu.enqueue_indirect_dma source(%dma_start3A_33 : memref<100352x8xf32, #tpu.memory_space<hbm>>) target(%dma_start3A_29 : memref<128x8xf32, #tpu.memory_space<vmem>>) offsets(%dma_start3A_30 : memref<128xi32, #tpu.memory_space<vmem>>) semaphore(%arg11 : memref<!tpu.dma_semaphore, #tpu.memory_space<semaphore_mem>>)
    }
    %scan3A_13 = arith.constant 25 : i32
    %scan3A_14 = arith.constant 0 : i32
    %scan3A_15 = arith.constant 0 : i32
    %scan3A_16 = arith.constant 25 : i32
    %scan3A_17 = arith.addi %scan3A_15, %scan3A_16 : i32
    %scan3A_18 = arith.constant 1 : i32
    scf.for %scan3A_20 = %scan3A_15 to %scan3A_17 step %scan3A_18  : i32 {
      %mul3A_21 = arith.constant 128 : i32
      %mul3A_22 = arith.muli %scan3A_20, %mul3A_21 : i32
      %dma_wait3A = arith.constant 0 : i32
      %dma_wait3A_23 = tpu.memref_slice %arg9[%mul3A_22, %dma_wait3A] : memref<3200x8xf32, #tpu.memory_space<vmem>> -> memref<128x8xf32, #tpu.memory_space<vmem>>
      %dma_wait3A_24 = tpu.memref_slice %arg7[%mul3A_22] : memref<3200xi32, #tpu.memory_space<vmem>> -> memref<128xi32, #tpu.memory_space<vmem>>
      %dma_wait3A_25 = arith.constant 0 : i32
      %dma_wait3A_26 = arith.constant 0 : i32
      %dma_wait3A_27 = tpu.memref_slice %arg3[%dma_wait3A_25, %dma_wait3A_26] : memref<100352x8xf32, #tpu.memory_space<hbm>> -> memref<100352x8xf32, #tpu.memory_space<hbm>>
      tpu.wait_indirect_dma semaphore(%arg11 : memref<!tpu.dma_semaphore, #tpu.memory_space<semaphore_mem>>) src(%dma_wait3A_27 : memref<100352x8xf32, #tpu.memory_space<hbm>>) dst(%dma_wait3A_23 : memref<128x8xf32, #tpu.memory_space<vmem>>)
      %dma_wait3A_28 = arith.constant 0 : i32
      %dma_wait3A_29 = tpu.memref_slice %arg10[%mul3A_22, %dma_wait3A_28] : memref<3200x8xf32, #tpu.memory_space<vmem>> -> memref<128x8xf32, #tpu.memory_space<vmem>>
      %dma_wait3A_30 = tpu.memref_slice %arg8[%mul3A_22] : memref<3200xi32, #tpu.memory_space<vmem>> -> memref<128xi32, #tpu.memory_space<vmem>>
      %dma_wait3A_31 = arith.constant 0 : i32
      %dma_wait3A_32 = arith.constant 0 : i32
      %dma_wait3A_33 = tpu.memref_slice %arg3[%dma_wait3A_31, %dma_wait3A_32] : memref<100352x8xf32, #tpu.memory_space<hbm>> -> memref<100352x8xf32, #tpu.memory_space<hbm>>
      tpu.wait_indirect_dma semaphore(%arg11 : memref<!tpu.dma_semaphore, #tpu.memory_space<semaphore_mem>>) src(%dma_wait3A_33 : memref<100352x8xf32, #tpu.memory_space<hbm>>) dst(%dma_wait3A_29 : memref<128x8xf32, #tpu.memory_space<vmem>>)
    }
    %scan3A_19 = arith.constant 25 : i32
    "tpu.region"() ({
      %run_scoped3A = tpu.sem_alloc : memref<!tpu.dma_semaphore, #tpu.memory_space<semaphore_mem>>
      %dma_start3A = arith.constant 0 : i32
      %dma_start3A_20 = tpu.memref_slice %arg4[%multiple_of3A, %dma_start3A] : memref<102400x8xf32, #tpu.memory_space<hbm>> -> memref<3200x8xf32, #tpu.memory_space<hbm>>
      %dma_start3A_21 = arith.constant 0 : i32
      %dma_start3A_22 = tpu.memref_slice %arg4[%multiple_of3A, %dma_start3A_21] : memref<102400x8xf32, #tpu.memory_space<hbm>> -> memref<3200x8xf32, #tpu.memory_space<hbm>>
      tpu.enqueue_dma source(%arg9 : memref<3200x8xf32, #tpu.memory_space<vmem>>) target(%dma_start3A_22 : memref<3200x8xf32, #tpu.memory_space<hbm>>) target_semaphore(%run_scoped3A : memref<!tpu.dma_semaphore, #tpu.memory_space<semaphore_mem>>)
      %dma_wait3A = arith.constant 0 : i32
      %dma_wait3A_23 = tpu.memref_slice %arg4[%multiple_of3A, %dma_wait3A] : memref<102400x8xf32, #tpu.memory_space<hbm>> -> memref<3200x8xf32, #tpu.memory_space<hbm>>
      %dma_wait3A_24 = arith.constant 0 : i32
      %dma_wait3A_25 = tpu.memref_slice %arg4[%multiple_of3A, %dma_wait3A_24] : memref<102400x8xf32, #tpu.memory_space<hbm>> -> memref<3200x8xf32, #tpu.memory_space<hbm>>
      tpu.wait_dma2 semaphore(%run_scoped3A : memref<!tpu.dma_semaphore, #tpu.memory_space<semaphore_mem>>) src(%arg9 : memref<3200x8xf32, #tpu.memory_space<vmem>>) dst(%dma_wait3A_25 : memref<3200x8xf32, #tpu.memory_space<hbm>>)
      tpu.yield
    }) : () -> ()
    "tpu.region"() ({
      %run_scoped3A = tpu.sem_alloc : memref<!tpu.dma_semaphore, #tpu.memory_space<semaphore_mem>>
      %dma_start3A = arith.constant 0 : i32
      %dma_start3A_20 = tpu.memref_slice %arg5[%multiple_of3A, %dma_start3A] : memref<102400x8xf32, #tpu.memory_space<hbm>> -> memref<3200x8xf32, #tpu.memory_space<hbm>>
      %dma_start3A_21 = arith.constant 0 : i32
      %dma_start3A_22 = tpu.memref_slice %arg5[%multiple_of3A, %dma_start3A_21] : memref<102400x8xf32, #tpu.memory_space<hbm>> -> memref<3200x8xf32, #tpu.memory_space<hbm>>
      tpu.enqueue_dma source(%arg10 : memref<3200x8xf32, #tpu.memory_space<vmem>>) target(%dma_start3A_22 : memref<3200x8xf32, #tpu.memory_space<hbm>>) target_semaphore(%run_scoped3A : memref<!tpu.dma_semaphore, #tpu.memory_space<semaphore_mem>>)
      %dma_wait3A = arith.constant 0 : i32
      %dma_wait3A_23 = tpu.memref_slice %arg5[%multiple_of3A, %dma_wait3A] : memref<102400x8xf32, #tpu.memory_space<hbm>> -> memref<3200x8xf32, #tpu.memory_space<hbm>>
      %dma_wait3A_24 = arith.constant 0 : i32
      %dma_wait3A_25 = tpu.memref_slice %arg5[%multiple_of3A, %dma_wait3A_24] : memref<102400x8xf32, #tpu.memory_space<hbm>> -> memref<3200x8xf32, #tpu.memory_space<hbm>>
      tpu.wait_dma2 semaphore(%run_scoped3A : memref<!tpu.dma_semaphore, #tpu.memory_space<semaphore_mem>>) src(%arg10 : memref<3200x8xf32, #tpu.memory_space<vmem>>) dst(%dma_wait3A_25 : memref<3200x8xf32, #tpu.memory_space<hbm>>)
      tpu.yield
    }) : () -> ()
    return
  }
}

#map = affine_map<(d0, d1) -> (0, 0)>
#map1 = affine_map<(d0, d1) -> (0)>
module attributes {stable_mosaic.version = 14 : i64} {
  func.func @_k2(%arg0: i32, %arg1: i32, %arg2: memref<100000x8xf32, #tpu.memory_space<hbm>>, %arg3: memref<102400xi32, #tpu.memory_space<hbm>>, %arg4: memref<102400xi32, #tpu.memory_space<hbm>>, %arg5: memref<50176x8xf32, #tpu.memory_space<hbm>>, %arg6: memref<102400x8xf32, #tpu.memory_space<hbm>>, %arg7: memref<100352x8xf32, #tpu.memory_space<hbm>>, %arg8: memref<3200xi32, #tpu.memory_space<vmem>>, %arg9: memref<3200xi32, #tpu.memory_space<vmem>>, %arg10: memref<25x128xi32, #tpu.memory_space<vmem>>, %arg11: memref<3200x8xf32, #tpu.memory_space<vmem>>, %arg12: memref<3200x8xf32, #tpu.memory_space<vmem>>, %arg13: memref<3200x8xf32, #tpu.memory_space<vmem>>, %arg14: memref<196x8xf32, #tpu.memory_space<vmem>>, %arg15: memref<50176x8xf32, #tpu.memory_space<vmem_shared>>, %arg16: memref<!tpu.dma_semaphore, #tpu.memory_space<semaphore_mem>>, %arg17: memref<!tpu.dma_semaphore, #tpu.memory_space<semaphore_mem>>) attributes {dimension_semantics = [#tpu.dimension_semantics<core_parallel>, #tpu.dimension_semantics<subcore_parallel>], iteration_bounds = array<i64: 2, 16>, scalar_prefetch = 0 : i64, scratch_operands = 10 : i64, tpu.core_type = #tpu.core_type<sc_vector_subcore>, window_params = [{transform_indices = #map}, {transform_indices = #map1}, {transform_indices = #map1}, {transform_indices = #map}, {transform_indices = #map}, {transform_indices = #map}]} {
    %mul3A = arith.constant 16 : i32
    %mul3A_0 = arith.muli %arg0, %mul3A : i32
    %add3A = arith.addi %mul3A_0, %arg1 : i32
    %mul3A_1 = arith.constant 3200 : i32
    %mul3A_2 = arith.muli %add3A, %mul3A_1 : i32
    %multiple_of3A = tpu.assume_multiple %mul3A_2, 128 : i32
    %mul3A_3 = arith.constant 3136 : i32
    %mul3A_4 = arith.muli %arg1, %mul3A_3 : i32
    %multiple_of3A_5 = tpu.assume_multiple %mul3A_4, 8 : i32
    %scan3A = arith.constant 0 : i32
    %scan3A_6 = arith.constant 0 : i32
    %scan3A_7 = arith.constant 16 : i32
    %scan3A_8 = arith.addi %scan3A_6, %scan3A_7 : i32
    %scan3A_9 = arith.constant 1 : i32
    scf.for %scan3A_54 = %scan3A_6 to %scan3A_8 step %scan3A_9  : i32 {
      %mul3A_55 = arith.constant 196 : i32
      %mul3A_56 = arith.muli %scan3A_54, %mul3A_55 : i32
      %add3A_57 = arith.addi %multiple_of3A_5, %mul3A_56 : i32
      %multiple_of3A_58 = tpu.assume_multiple %add3A_57, 8 : i32
      "tpu.region"() ({
        %run_scoped3A = tpu.sem_alloc : memref<!tpu.dma_semaphore, #tpu.memory_space<semaphore_mem>>
        %dma_start3A_59 = arith.constant 0 : i32
        %dma_start3A_60 = tpu.memref_slice %arg5[%multiple_of3A_58, %dma_start3A_59] : memref<50176x8xf32, #tpu.memory_space<hbm>> -> memref<196x8xf32, #tpu.memory_space<hbm>>
        %dma_start3A_61 = arith.constant 0 : i32
        %dma_start3A_62 = tpu.memref_slice %arg5[%multiple_of3A_58, %dma_start3A_61] : memref<50176x8xf32, #tpu.memory_space<hbm>> -> memref<196x8xf32, #tpu.memory_space<hbm>>
        tpu.enqueue_dma source(%dma_start3A_62 : memref<196x8xf32, #tpu.memory_space<hbm>>) target(%arg14 : memref<196x8xf32, #tpu.memory_space<vmem>>) target_semaphore(%run_scoped3A : memref<!tpu.dma_semaphore, #tpu.memory_space<semaphore_mem>>)
        %dma_wait3A_63 = arith.constant 0 : i32
        %dma_wait3A_64 = tpu.memref_slice %arg5[%multiple_of3A_58, %dma_wait3A_63] : memref<50176x8xf32, #tpu.memory_space<hbm>> -> memref<196x8xf32, #tpu.memory_space<hbm>>
        %dma_wait3A_65 = arith.constant 0 : i32
        %dma_wait3A_66 = tpu.memref_slice %arg5[%multiple_of3A_58, %dma_wait3A_65] : memref<50176x8xf32, #tpu.memory_space<hbm>> -> memref<196x8xf32, #tpu.memory_space<hbm>>
        tpu.wait_dma2 semaphore(%run_scoped3A : memref<!tpu.dma_semaphore, #tpu.memory_space<semaphore_mem>>) src(%dma_wait3A_66 : memref<196x8xf32, #tpu.memory_space<hbm>>) dst(%arg14 : memref<196x8xf32, #tpu.memory_space<vmem>>)
        tpu.yield
      }) : () -> ()
      "tpu.region"() ({
        %run_scoped3A = tpu.sem_alloc : memref<!tpu.dma_semaphore, #tpu.memory_space<semaphore_mem>>
        %dma_start3A_59 = arith.constant 0 : i32
        %dma_start3A_60 = tpu.memref_slice %arg15[%multiple_of3A_58, %dma_start3A_59] : memref<50176x8xf32, #tpu.memory_space<vmem_shared>> -> memref<196x8xf32, #tpu.memory_space<vmem_shared>>
        %dma_start3A_61 = arith.constant 0 : i32
        %dma_start3A_62 = tpu.memref_slice %arg15[%multiple_of3A_58, %dma_start3A_61] : memref<50176x8xf32, #tpu.memory_space<vmem_shared>> -> memref<196x8xf32, #tpu.memory_space<vmem_shared>>
        tpu.enqueue_dma source(%arg14 : memref<196x8xf32, #tpu.memory_space<vmem>>) target(%dma_start3A_62 : memref<196x8xf32, #tpu.memory_space<vmem_shared>>) target_semaphore(%run_scoped3A : memref<!tpu.dma_semaphore, #tpu.memory_space<semaphore_mem>>)
        %dma_wait3A_63 = arith.constant 0 : i32
        %dma_wait3A_64 = tpu.memref_slice %arg15[%multiple_of3A_58, %dma_wait3A_63] : memref<50176x8xf32, #tpu.memory_space<vmem_shared>> -> memref<196x8xf32, #tpu.memory_space<vmem_shared>>
        %dma_wait3A_65 = arith.constant 0 : i32
        %dma_wait3A_66 = tpu.memref_slice %arg15[%multiple_of3A_58, %dma_wait3A_65] : memref<50176x8xf32, #tpu.memory_space<vmem_shared>> -> memref<196x8xf32, #tpu.memory_space<vmem_shared>>
        tpu.wait_dma2 semaphore(%run_scoped3A : memref<!tpu.dma_semaphore, #tpu.memory_space<semaphore_mem>>) src(%arg14 : memref<196x8xf32, #tpu.memory_space<vmem>>) dst(%dma_wait3A_66 : memref<196x8xf32, #tpu.memory_space<vmem_shared>>)
        tpu.yield
      }) : () -> ()
    }
    %scan3A_10 = arith.constant 16 : i32
    "tpu.region"() ({
      %run_scoped3A = tpu.sem_alloc : memref<!tpu.dma_semaphore, #tpu.memory_space<semaphore_mem>>
      %dma_start3A_54 = arith.constant 0 : i32
      %dma_start3A_55 = arith.constant 0 : i32
      %dma_start3A_56 = tpu.memref_slice %arg5[%dma_start3A_54, %dma_start3A_55] : memref<50176x8xf32, #tpu.memory_space<hbm>> -> memref<3200x8xf32, #tpu.memory_space<hbm>>
      %dma_start3A_57 = arith.constant 0 : i32
      %dma_start3A_58 = arith.constant 0 : i32
      %dma_start3A_59 = tpu.memref_slice %arg5[%dma_start3A_57, %dma_start3A_58] : memref<50176x8xf32, #tpu.memory_space<hbm>> -> memref<3200x8xf32, #tpu.memory_space<hbm>>
      tpu.enqueue_dma source(%dma_start3A_59 : memref<3200x8xf32, #tpu.memory_space<hbm>>) target(%arg13 : memref<3200x8xf32, #tpu.memory_space<vmem>>) target_semaphore(%run_scoped3A : memref<!tpu.dma_semaphore, #tpu.memory_space<semaphore_mem>>)
      %dma_wait3A_60 = arith.constant 0 : i32
      %dma_wait3A_61 = arith.constant 0 : i32
      %dma_wait3A_62 = tpu.memref_slice %arg5[%dma_wait3A_60, %dma_wait3A_61] : memref<50176x8xf32, #tpu.memory_space<hbm>> -> memref<3200x8xf32, #tpu.memory_space<hbm>>
      %dma_wait3A_63 = arith.constant 0 : i32
      %dma_wait3A_64 = arith.constant 0 : i32
      %dma_wait3A_65 = tpu.memref_slice %arg5[%dma_wait3A_63, %dma_wait3A_64] : memref<50176x8xf32, #tpu.memory_space<hbm>> -> memref<3200x8xf32, #tpu.memory_space<hbm>>
      tpu.wait_dma2 semaphore(%run_scoped3A : memref<!tpu.dma_semaphore, #tpu.memory_space<semaphore_mem>>) src(%dma_wait3A_65 : memref<3200x8xf32, #tpu.memory_space<hbm>>) dst(%arg13 : memref<3200x8xf32, #tpu.memory_space<vmem>>)
      tpu.yield
    }) : () -> ()
    "tpu.region"() ({
      %run_scoped3A = tpu.sem_alloc : memref<!tpu.dma_semaphore, #tpu.memory_space<semaphore_mem>>
      %dma_start3A_54 = tpu.memref_slice %arg3[%multiple_of3A] : memref<102400xi32, #tpu.memory_space<hbm>> -> memref<3200xi32, #tpu.memory_space<hbm>>
      %dma_start3A_55 = tpu.memref_slice %arg3[%multiple_of3A] : memref<102400xi32, #tpu.memory_space<hbm>> -> memref<3200xi32, #tpu.memory_space<hbm>>
      tpu.enqueue_dma source(%dma_start3A_55 : memref<3200xi32, #tpu.memory_space<hbm>>) target(%arg8 : memref<3200xi32, #tpu.memory_space<vmem>>) target_semaphore(%run_scoped3A : memref<!tpu.dma_semaphore, #tpu.memory_space<semaphore_mem>>)
      %dma_wait3A_56 = tpu.memref_slice %arg3[%multiple_of3A] : memref<102400xi32, #tpu.memory_space<hbm>> -> memref<3200xi32, #tpu.memory_space<hbm>>
      %dma_wait3A_57 = tpu.memref_slice %arg3[%multiple_of3A] : memref<102400xi32, #tpu.memory_space<hbm>> -> memref<3200xi32, #tpu.memory_space<hbm>>
      tpu.wait_dma2 semaphore(%run_scoped3A : memref<!tpu.dma_semaphore, #tpu.memory_space<semaphore_mem>>) src(%dma_wait3A_57 : memref<3200xi32, #tpu.memory_space<hbm>>) dst(%arg8 : memref<3200xi32, #tpu.memory_space<vmem>>)
      tpu.yield
    }) : () -> ()
    "tpu.region"() ({
      %run_scoped3A = tpu.sem_alloc : memref<!tpu.dma_semaphore, #tpu.memory_space<semaphore_mem>>
      %dma_start3A_54 = tpu.memref_slice %arg4[%multiple_of3A] : memref<102400xi32, #tpu.memory_space<hbm>> -> memref<3200xi32, #tpu.memory_space<hbm>>
      %dma_start3A_55 = tpu.memref_slice %arg4[%multiple_of3A] : memref<102400xi32, #tpu.memory_space<hbm>> -> memref<3200xi32, #tpu.memory_space<hbm>>
      tpu.enqueue_dma source(%dma_start3A_55 : memref<3200xi32, #tpu.memory_space<hbm>>) target(%arg9 : memref<3200xi32, #tpu.memory_space<vmem>>) target_semaphore(%run_scoped3A : memref<!tpu.dma_semaphore, #tpu.memory_space<semaphore_mem>>)
      %dma_wait3A_56 = tpu.memref_slice %arg4[%multiple_of3A] : memref<102400xi32, #tpu.memory_space<hbm>> -> memref<3200xi32, #tpu.memory_space<hbm>>
      %dma_wait3A_57 = tpu.memref_slice %arg4[%multiple_of3A] : memref<102400xi32, #tpu.memory_space<hbm>> -> memref<3200xi32, #tpu.memory_space<hbm>>
      tpu.wait_dma2 semaphore(%run_scoped3A : memref<!tpu.dma_semaphore, #tpu.memory_space<semaphore_mem>>) src(%dma_wait3A_57 : memref<3200xi32, #tpu.memory_space<hbm>>) dst(%arg9 : memref<3200xi32, #tpu.memory_space<vmem>>)
      tpu.yield
    }) : () -> ()
    %scan3A_11 = arith.constant 0 : i32
    %scan3A_12 = arith.constant 0 : i32
    %scan3A_13 = arith.constant 25 : i32
    %scan3A_14 = arith.addi %scan3A_12, %scan3A_13 : i32
    %scan3A_15 = arith.constant 1 : i32
    scf.for %scan3A_54 = %scan3A_12 to %scan3A_14 step %scan3A_15  : i32 {
      %mul3A_55 = arith.constant 128 : i32
      %mul3A_56 = arith.muli %scan3A_54, %mul3A_55 : i32
      %dma_start3A_57 = arith.constant 0 : i32
      %dma_start3A_58 = tpu.memref_slice %arg11[%mul3A_56, %dma_start3A_57] : memref<3200x8xf32, #tpu.memory_space<vmem>> -> memref<128x8xf32, #tpu.memory_space<vmem>>
      %dma_start3A_59 = tpu.memref_slice %arg8[%mul3A_56] : memref<3200xi32, #tpu.memory_space<vmem>> -> memref<128xi32, #tpu.memory_space<vmem>>
      %dma_start3A_60 = arith.constant 0 : i32
      %dma_start3A_61 = arith.constant 0 : i32
      %dma_start3A_62 = tpu.memref_slice %arg2[%dma_start3A_60, %dma_start3A_61] : memref<100000x8xf32, #tpu.memory_space<hbm>> -> memref<100000x8xf32, #tpu.memory_space<hbm>>
      tpu.enqueue_indirect_dma source(%dma_start3A_62 : memref<100000x8xf32, #tpu.memory_space<hbm>>) target(%dma_start3A_58 : memref<128x8xf32, #tpu.memory_space<vmem>>) offsets(%dma_start3A_59 : memref<128xi32, #tpu.memory_space<vmem>>) semaphore(%arg16 : memref<!tpu.dma_semaphore, #tpu.memory_space<semaphore_mem>>)
      %dma_start3A_63 = arith.constant 0 : i32
      %dma_start3A_64 = tpu.memref_slice %arg12[%mul3A_56, %dma_start3A_63] : memref<3200x8xf32, #tpu.memory_space<vmem>> -> memref<128x8xf32, #tpu.memory_space<vmem>>
      %dma_start3A_65 = tpu.memref_slice %arg9[%mul3A_56] : memref<3200xi32, #tpu.memory_space<vmem>> -> memref<128xi32, #tpu.memory_space<vmem>>
      %dma_start3A_66 = arith.constant 0 : i32
      %dma_start3A_67 = arith.constant 0 : i32
      %dma_start3A_68 = tpu.memref_slice %arg2[%dma_start3A_66, %dma_start3A_67] : memref<100000x8xf32, #tpu.memory_space<hbm>> -> memref<100000x8xf32, #tpu.memory_space<hbm>>
      tpu.enqueue_indirect_dma source(%dma_start3A_68 : memref<100000x8xf32, #tpu.memory_space<hbm>>) target(%dma_start3A_64 : memref<128x8xf32, #tpu.memory_space<vmem>>) offsets(%dma_start3A_65 : memref<128xi32, #tpu.memory_space<vmem>>) semaphore(%arg16 : memref<!tpu.dma_semaphore, #tpu.memory_space<semaphore_mem>>)
    }
    %scan3A_16 = arith.constant 25 : i32
    %barrier3A = arith.constant 0 : index
    tpu.barrier barrier_id(%barrier3A)
    %scan3A_17 = arith.constant 0 : i32
    %scan3A_18 = arith.constant 0 : i32
    %scan3A_19 = arith.constant 25 : i32
    %scan3A_20 = arith.addi %scan3A_18, %scan3A_19 : i32
    %scan3A_21 = arith.constant 1 : i32
    scf.for %scan3A_54 = %scan3A_18 to %scan3A_20 step %scan3A_21  : i32 {
      %mul3A_55 = arith.constant 128 : i32
      %mul3A_56 = arith.muli %scan3A_54, %mul3A_55 : i32
      %dma_wait3A_57 = arith.constant 0 : i32
      %dma_wait3A_58 = tpu.memref_slice %arg11[%mul3A_56, %dma_wait3A_57] : memref<3200x8xf32, #tpu.memory_space<vmem>> -> memref<128x8xf32, #tpu.memory_space<vmem>>
      %dma_wait3A_59 = tpu.memref_slice %arg8[%mul3A_56] : memref<3200xi32, #tpu.memory_space<vmem>> -> memref<128xi32, #tpu.memory_space<vmem>>
      %dma_wait3A_60 = arith.constant 0 : i32
      %dma_wait3A_61 = arith.constant 0 : i32
      %dma_wait3A_62 = tpu.memref_slice %arg2[%dma_wait3A_60, %dma_wait3A_61] : memref<100000x8xf32, #tpu.memory_space<hbm>> -> memref<100000x8xf32, #tpu.memory_space<hbm>>
      tpu.wait_indirect_dma semaphore(%arg16 : memref<!tpu.dma_semaphore, #tpu.memory_space<semaphore_mem>>) src(%dma_wait3A_62 : memref<100000x8xf32, #tpu.memory_space<hbm>>) dst(%dma_wait3A_58 : memref<128x8xf32, #tpu.memory_space<vmem>>)
      %dma_wait3A_63 = arith.constant 0 : i32
      %dma_wait3A_64 = tpu.memref_slice %arg12[%mul3A_56, %dma_wait3A_63] : memref<3200x8xf32, #tpu.memory_space<vmem>> -> memref<128x8xf32, #tpu.memory_space<vmem>>
      %dma_wait3A_65 = tpu.memref_slice %arg9[%mul3A_56] : memref<3200xi32, #tpu.memory_space<vmem>> -> memref<128xi32, #tpu.memory_space<vmem>>
      %dma_wait3A_66 = arith.constant 0 : i32
      %dma_wait3A_67 = arith.constant 0 : i32
      %dma_wait3A_68 = tpu.memref_slice %arg2[%dma_wait3A_66, %dma_wait3A_67] : memref<100000x8xf32, #tpu.memory_space<hbm>> -> memref<100000x8xf32, #tpu.memory_space<hbm>>
      tpu.wait_indirect_dma semaphore(%arg16 : memref<!tpu.dma_semaphore, #tpu.memory_space<semaphore_mem>>) src(%dma_wait3A_68 : memref<100000x8xf32, #tpu.memory_space<hbm>>) dst(%dma_wait3A_64 : memref<128x8xf32, #tpu.memory_space<vmem>>)
    }
    %scan3A_22 = arith.constant 25 : i32
    %iota3A = tpu.iota {dimensions = array<i32: 0>} : vector<16xi32>
    %scan3A_23 = arith.constant 0 : i32
    %scan3A_24 = arith.constant 0 : i32
    %scan3A_25 = arith.constant 200 : i32
    %scan3A_26 = arith.addi %scan3A_24, %scan3A_25 : i32
    %scan3A_27 = arith.constant 1 : i32
    scf.for %scan3A_54 = %scan3A_24 to %scan3A_26 step %scan3A_27  : i32 {
      %mul3A_55 = arith.constant 16 : i32
      %mul3A_56 = arith.muli %scan3A_54, %mul3A_55 : i32
      %add3A_57 = vector.broadcast %mul3A_56 : i32 to vector<16xi32>
      %add3A_58 = arith.addi %add3A_57, %iota3A : vector<16xi32>
      %broadcast_in_dim3A = arith.constant 0 : i32
      %broadcast_in_dim3A_59 = vector.broadcast %broadcast_in_dim3A : i32 to vector<16xi32>
      %gather3A = tpu.vector_load_idx %arg11[%add3A_58, %broadcast_in_dim3A_59] : memref<3200x8xf32, #tpu.memory_space<vmem>>[vector<16xi32>, vector<16xi32>], vector<16xf32>,
      %broadcast_in_dim3A_60 = arith.constant 4 : i32
      %broadcast_in_dim3A_61 = vector.broadcast %broadcast_in_dim3A_60 : i32 to vector<16xi32>
      %gather3A_62 = tpu.vector_load_idx %arg12[%add3A_58, %broadcast_in_dim3A_61] : memref<3200x8xf32, #tpu.memory_space<vmem>>[vector<16xi32>, vector<16xi32>], vector<16xf32>,
      %add3A_63 = arith.addf %gather3A, %gather3A_62 : vector<16xf32>
      %ge3A = arith.constant 0.000000e+00 : f32
      %ge3A_64 = vector.broadcast %ge3A : f32 to vector<16xf32>
      %ge3A_65 = arith.cmpf oge, %add3A_63, %ge3A_64 : vector<16xf32>
      %mul3A_66 = arith.constant 0.00999999977 : f32
      %mul3A_67 = vector.broadcast %mul3A_66 : f32 to vector<16xf32>
      %mul3A_68 = arith.mulf %mul3A_67, %add3A_63 : vector<16xf32>
      %select_n3A = arith.select %ge3A_65, %add3A_63, %mul3A_68 : vector<16xi1>, vector<16xf32>
      %broadcast_in_dim3A_69 = arith.constant 1 : i32
      %broadcast_in_dim3A_70 = vector.broadcast %broadcast_in_dim3A_69 : i32 to vector<16xi32>
      %gather3A_71 = tpu.vector_load_idx %arg11[%add3A_58, %broadcast_in_dim3A_70] : memref<3200x8xf32, #tpu.memory_space<vmem>>[vector<16xi32>, vector<16xi32>], vector<16xf32>,
      %broadcast_in_dim3A_72 = arith.constant 5 : i32
      %broadcast_in_dim3A_73 = vector.broadcast %broadcast_in_dim3A_72 : i32 to vector<16xi32>
      %gather3A_74 = tpu.vector_load_idx %arg12[%add3A_58, %broadcast_in_dim3A_73] : memref<3200x8xf32, #tpu.memory_space<vmem>>[vector<16xi32>, vector<16xi32>], vector<16xf32>,
      %add3A_75 = arith.addf %gather3A_71, %gather3A_74 : vector<16xf32>
      %ge3A_76 = arith.constant 0.000000e+00 : f32
      %ge3A_77 = vector.broadcast %ge3A_76 : f32 to vector<16xf32>
      %ge3A_78 = arith.cmpf oge, %add3A_75, %ge3A_77 : vector<16xf32>
      %mul3A_79 = arith.constant 0.00999999977 : f32
      %mul3A_80 = vector.broadcast %mul3A_79 : f32 to vector<16xf32>
      %mul3A_81 = arith.mulf %mul3A_80, %add3A_75 : vector<16xf32>
      %select_n3A_82 = arith.select %ge3A_78, %add3A_75, %mul3A_81 : vector<16xi1>, vector<16xf32>
      %broadcast_in_dim3A_83 = arith.constant 2 : i32
      %broadcast_in_dim3A_84 = vector.broadcast %broadcast_in_dim3A_83 : i32 to vector<16xi32>
      %gather3A_85 = tpu.vector_load_idx %arg11[%add3A_58, %broadcast_in_dim3A_84] : memref<3200x8xf32, #tpu.memory_space<vmem>>[vector<16xi32>, vector<16xi32>], vector<16xf32>,
      %broadcast_in_dim3A_86 = arith.constant 6 : i32
      %broadcast_in_dim3A_87 = vector.broadcast %broadcast_in_dim3A_86 : i32 to vector<16xi32>
      %gather3A_88 = tpu.vector_load_idx %arg12[%add3A_58, %broadcast_in_dim3A_87] : memref<3200x8xf32, #tpu.memory_space<vmem>>[vector<16xi32>, vector<16xi32>], vector<16xf32>,
      %add3A_89 = arith.addf %gather3A_85, %gather3A_88 : vector<16xf32>
      %ge3A_90 = arith.constant 0.000000e+00 : f32
      %ge3A_91 = vector.broadcast %ge3A_90 : f32 to vector<16xf32>
      %ge3A_92 = arith.cmpf oge, %add3A_89, %ge3A_91 : vector<16xf32>
      %mul3A_93 = arith.constant 0.00999999977 : f32
      %mul3A_94 = vector.broadcast %mul3A_93 : f32 to vector<16xf32>
      %mul3A_95 = arith.mulf %mul3A_94, %add3A_89 : vector<16xf32>
      %select_n3A_96 = arith.select %ge3A_92, %add3A_89, %mul3A_95 : vector<16xi1>, vector<16xf32>
      %broadcast_in_dim3A_97 = arith.constant 3 : i32
      %broadcast_in_dim3A_98 = vector.broadcast %broadcast_in_dim3A_97 : i32 to vector<16xi32>
      %gather3A_99 = tpu.vector_load_idx %arg11[%add3A_58, %broadcast_in_dim3A_98] : memref<3200x8xf32, #tpu.memory_space<vmem>>[vector<16xi32>, vector<16xi32>], vector<16xf32>,
      %broadcast_in_dim3A_100 = arith.constant 7 : i32
      %broadcast_in_dim3A_101 = vector.broadcast %broadcast_in_dim3A_100 : i32 to vector<16xi32>
      %gather3A_102 = tpu.vector_load_idx %arg12[%add3A_58, %broadcast_in_dim3A_101] : memref<3200x8xf32, #tpu.memory_space<vmem>>[vector<16xi32>, vector<16xi32>], vector<16xf32>,
      %add3A_103 = arith.addf %gather3A_99, %gather3A_102 : vector<16xf32>
      %ge3A_104 = arith.constant 0.000000e+00 : f32
      %ge3A_105 = vector.broadcast %ge3A_104 : f32 to vector<16xf32>
      %ge3A_106 = arith.cmpf oge, %add3A_103, %ge3A_105 : vector<16xf32>
      %mul3A_107 = arith.constant 0.00999999977 : f32
      %mul3A_108 = vector.broadcast %mul3A_107 : f32 to vector<16xf32>
      %mul3A_109 = arith.mulf %mul3A_108, %add3A_103 : vector<16xf32>
      %select_n3A_110 = arith.select %ge3A_106, %add3A_103, %mul3A_109 : vector<16xi1>, vector<16xf32>
      %max3A = arith.maximumf %select_n3A, %select_n3A_82 : vector<16xf32>
      %max3A_111 = arith.maximumf %select_n3A_96, %select_n3A_110 : vector<16xf32>
      %max3A_112 = arith.maximumf %max3A, %max3A_111 : vector<16xf32>
      %sub3A = arith.subf %select_n3A, %max3A_112 : vector<16xf32>
      %exp3A = math.exp %sub3A : vector<16xf32>
      %sub3A_113 = arith.subf %select_n3A_82, %max3A_112 : vector<16xf32>
      %exp3A_114 = math.exp %sub3A_113 : vector<16xf32>
      %sub3A_115 = arith.subf %select_n3A_96, %max3A_112 : vector<16xf32>
      %exp3A_116 = math.exp %sub3A_115 : vector<16xf32>
      %sub3A_117 = arith.subf %select_n3A_110, %max3A_112 : vector<16xf32>
      %exp3A_118 = math.exp %sub3A_117 : vector<16xf32>
      %add3A_119 = arith.addf %exp3A, %exp3A_114 : vector<16xf32>
      %add3A_120 = arith.addf %exp3A_116, %exp3A_118 : vector<16xf32>
      %add3A_121 = arith.addf %add3A_119, %add3A_120 : vector<16xf32>
      %add3A_122 = vector.broadcast %multiple_of3A : i32 to vector<16xi32>
      %add3A_123 = arith.addi %add3A_122, %add3A_58 : vector<16xi32>
      %lt3A = arith.constant 100000 : i32
      %lt3A_124 = vector.broadcast %lt3A : i32 to vector<16xi32>
      %lt3A_125 = arith.cmpi slt, %add3A_123, %lt3A_124 : vector<16xi32>
      %gather3A_126 = tpu.vector_load_idx %arg8[%add3A_58] : memref<3200xi32, #tpu.memory_space<vmem>>[vector<16xi32>], vector<16xi32>,
      %shift_right_logical3A = arith.constant 7 : i32
      %shift_right_logical3A_127 = vector.broadcast %shift_right_logical3A : i32 to vector<16xi32>
      %shift_right_logical3A_128 = arith.shrui %add3A_58, %shift_right_logical3A_127 : vector<16xi32>
      %and3A = arith.constant 127 : i32
      %and3A_129 = vector.broadcast %and3A : i32 to vector<16xi32>
      %and3A_130 = arith.andi %add3A_58, %and3A_129 : vector<16xi32>
      %shift_right_logical3A_131 = arith.constant 1 : i32
      %shift_right_logical3A_132 = vector.broadcast %shift_right_logical3A_131 : i32 to vector<16xi32>
      %shift_right_logical3A_133 = arith.shrui %gather3A_126, %shift_right_logical3A_132 : vector<16xi32>
      tpu.vector_store_idx %arg10[%shift_right_logical3A_128, %and3A_130], %shift_right_logical3A_133 : memref<25x128xi32, #tpu.memory_space<vmem>>[vector<16xi32>, vector<16xi32>], vector<16xi32>,
      %and3A_134 = arith.constant 1 : i32
      %and3A_135 = vector.broadcast %and3A_134 : i32 to vector<16xi32>
      %and3A_136 = arith.andi %gather3A_126, %and3A_135 : vector<16xi32>
      %mul3A_137 = arith.constant 4 : i32
      %mul3A_138 = vector.broadcast %mul3A_137 : i32 to vector<16xi32>
      %mul3A_139 = arith.muli %and3A_136, %mul3A_138 : vector<16xi32>
      %div3A = arith.divf %exp3A, %add3A_121 : vector<16xf32>
      %exp3A_140 = math.exp %div3A : vector<16xf32>
      %jit3A = arith.constant 0.000000e+00 : f32
      %broadcast_in_dim3A_141 = vector.broadcast %jit3A : f32 to vector<16xf32>
      %select_n3A_142 = arith.select %lt3A_125, %exp3A_140, %broadcast_in_dim3A_141 : vector<16xi1>, vector<16xf32>
      %add3A_143 = arith.constant 0 : i32
      %add3A_144 = vector.broadcast %add3A_143 : i32 to vector<16xi32>
      %add3A_145 = arith.addi %mul3A_139, %add3A_144 : vector<16xi32>
      tpu.vector_store_idx %arg13[%add3A_58, %add3A_145], %select_n3A_142 : memref<3200x8xf32, #tpu.memory_space<vmem>>[vector<16xi32>, vector<16xi32>], vector<16xf32>,
      %div3A_146 = arith.divf %exp3A_114, %add3A_121 : vector<16xf32>
      %exp3A_147 = math.exp %div3A_146 : vector<16xf32>
      %jit3A_148 = arith.constant 0.000000e+00 : f32
      %broadcast_in_dim3A_149 = vector.broadcast %jit3A_148 : f32 to vector<16xf32>
      %select_n3A_150 = arith.select %lt3A_125, %exp3A_147, %broadcast_in_dim3A_149 : vector<16xi1>, vector<16xf32>
      %add3A_151 = arith.constant 1 : i32
      %add3A_152 = vector.broadcast %add3A_151 : i32 to vector<16xi32>
      %add3A_153 = arith.addi %mul3A_139, %add3A_152 : vector<16xi32>
      tpu.vector_store_idx %arg13[%add3A_58, %add3A_153], %select_n3A_150 : memref<3200x8xf32, #tpu.memory_space<vmem>>[vector<16xi32>, vector<16xi32>], vector<16xf32>,
      %div3A_154 = arith.divf %exp3A_116, %add3A_121 : vector<16xf32>
      %exp3A_155 = math.exp %div3A_154 : vector<16xf32>
      %jit3A_156 = arith.constant 0.000000e+00 : f32
      %broadcast_in_dim3A_157 = vector.broadcast %jit3A_156 : f32 to vector<16xf32>
      %select_n3A_158 = arith.select %lt3A_125, %exp3A_155, %broadcast_in_dim3A_157 : vector<16xi1>, vector<16xf32>
      %add3A_159 = arith.constant 2 : i32
      %add3A_160 = vector.broadcast %add3A_159 : i32 to vector<16xi32>
      %add3A_161 = arith.addi %mul3A_139, %add3A_160 : vector<16xi32>
      tpu.vector_store_idx %arg13[%add3A_58, %add3A_161], %select_n3A_158 : memref<3200x8xf32, #tpu.memory_space<vmem>>[vector<16xi32>, vector<16xi32>], vector<16xf32>,
      %div3A_162 = arith.divf %exp3A_118, %add3A_121 : vector<16xf32>
      %exp3A_163 = math.exp %div3A_162 : vector<16xf32>
      %jit3A_164 = arith.constant 0.000000e+00 : f32
      %broadcast_in_dim3A_165 = vector.broadcast %jit3A_164 : f32 to vector<16xf32>
      %select_n3A_166 = arith.select %lt3A_125, %exp3A_163, %broadcast_in_dim3A_165 : vector<16xi1>, vector<16xf32>
      %add3A_167 = arith.constant 3 : i32
      %add3A_168 = vector.broadcast %add3A_167 : i32 to vector<16xi32>
      %add3A_169 = arith.addi %mul3A_139, %add3A_168 : vector<16xi32>
      tpu.vector_store_idx %arg13[%add3A_58, %add3A_169], %select_n3A_166 : memref<3200x8xf32, #tpu.memory_space<vmem>>[vector<16xi32>, vector<16xi32>], vector<16xf32>,
    }
    %scan3A_28 = arith.constant 200 : i32
    %dma_start3A = arith.constant 0 : i32
    %dma_start3A_29 = tpu.memref_slice %arg6[%multiple_of3A, %dma_start3A] : memref<102400x8xf32, #tpu.memory_space<hbm>> -> memref<3200x8xf32, #tpu.memory_space<hbm>>
    %dma_start3A_30 = arith.constant 0 : i32
    %dma_start3A_31 = tpu.memref_slice %arg6[%multiple_of3A, %dma_start3A_30] : memref<102400x8xf32, #tpu.memory_space<hbm>> -> memref<3200x8xf32, #tpu.memory_space<hbm>>
    tpu.enqueue_dma source(%arg13 : memref<3200x8xf32, #tpu.memory_space<vmem>>) target(%dma_start3A_31 : memref<3200x8xf32, #tpu.memory_space<hbm>>) target_semaphore(%arg17 : memref<!tpu.dma_semaphore, #tpu.memory_space<semaphore_mem>>)
    %scan3A_32 = arith.constant 0 : i32
    %scan3A_33 = arith.constant 0 : i32
    %scan3A_34 = arith.constant 25 : i32
    %scan3A_35 = arith.addi %scan3A_33, %scan3A_34 : i32
    %scan3A_36 = arith.constant 1 : i32
    scf.for %scan3A_54 = %scan3A_33 to %scan3A_35 step %scan3A_36  : i32 {
      %mul3A_55 = arith.constant 128 : i32
      %mul3A_56 = arith.muli %scan3A_54, %mul3A_55 : i32
      %dma_start3A_57 = arith.constant 0 : i32
      %dma_start3A_58 = tpu.memref_slice %arg13[%mul3A_56, %dma_start3A_57] : memref<3200x8xf32, #tpu.memory_space<vmem>> -> memref<128x8xf32, #tpu.memory_space<vmem>>
      %dma_start3A_59 = arith.constant 0 : i32
      %dma_start3A_60 = tpu.memref_slice %arg10[%scan3A_54, %dma_start3A_59] : memref<25x128xi32, #tpu.memory_space<vmem>> -> memref<1x128xi32, #tpu.memory_space<vmem>>
      %dma_start3A_61 = tpu.memref_squeeze %dma_start3A_60 : memref<1x128xi32, #tpu.memory_space<vmem>> -> memref<128xi32, #tpu.memory_space<vmem>>
      %dma_start3A_62 = arith.constant 0 : i32
      %dma_start3A_63 = arith.constant 0 : i32
      %dma_start3A_64 = tpu.memref_slice %arg15[%dma_start3A_62, %dma_start3A_63] : memref<50176x8xf32, #tpu.memory_space<vmem_shared>> -> memref<50176x8xf32, #tpu.memory_space<vmem_shared>>
      tpu.enqueue_indirect_dma source(%dma_start3A_58 : memref<128x8xf32, #tpu.memory_space<vmem>>) target(%dma_start3A_64 : memref<50176x8xf32, #tpu.memory_space<vmem_shared>>) offsets(%dma_start3A_61 : memref<128xi32, #tpu.memory_space<vmem>>) semaphore(%arg16 : memref<!tpu.dma_semaphore, #tpu.memory_space<semaphore_mem>>) {add = true}
    }
    %scan3A_37 = arith.constant 25 : i32
    %scan3A_38 = arith.constant 0 : i32
    %scan3A_39 = arith.constant 0 : i32
    %scan3A_40 = arith.constant 25 : i32
    %scan3A_41 = arith.addi %scan3A_39, %scan3A_40 : i32
    %scan3A_42 = arith.constant 1 : i32
    scf.for %scan3A_54 = %scan3A_39 to %scan3A_41 step %scan3A_42  : i32 {
      %mul3A_55 = arith.constant 128 : i32
      %mul3A_56 = arith.muli %scan3A_54, %mul3A_55 : i32
      %dma_wait3A_57 = arith.constant 0 : i32
      %dma_wait3A_58 = tpu.memref_slice %arg13[%mul3A_56, %dma_wait3A_57] : memref<3200x8xf32, #tpu.memory_space<vmem>> -> memref<128x8xf32, #tpu.memory_space<vmem>>
      %dma_wait3A_59 = arith.constant 0 : i32
      %dma_wait3A_60 = tpu.memref_slice %arg10[%scan3A_54, %dma_wait3A_59] : memref<25x128xi32, #tpu.memory_space<vmem>> -> memref<1x128xi32, #tpu.memory_space<vmem>>
      %dma_wait3A_61 = tpu.memref_squeeze %dma_wait3A_60 : memref<1x128xi32, #tpu.memory_space<vmem>> -> memref<128xi32, #tpu.memory_space<vmem>>
      %dma_wait3A_62 = arith.constant 0 : i32
      %dma_wait3A_63 = arith.constant 0 : i32
      %dma_wait3A_64 = tpu.memref_slice %arg15[%dma_wait3A_62, %dma_wait3A_63] : memref<50176x8xf32, #tpu.memory_space<vmem_shared>> -> memref<50176x8xf32, #tpu.memory_space<vmem_shared>>
      tpu.wait_indirect_dma semaphore(%arg16 : memref<!tpu.dma_semaphore, #tpu.memory_space<semaphore_mem>>) src(%dma_wait3A_58 : memref<128x8xf32, #tpu.memory_space<vmem>>) dst(%dma_wait3A_64 : memref<50176x8xf32, #tpu.memory_space<vmem_shared>>)
    }
    %scan3A_43 = arith.constant 25 : i32
    %dma_wait3A = arith.constant 0 : i32
    %dma_wait3A_44 = tpu.memref_slice %arg6[%multiple_of3A, %dma_wait3A] : memref<102400x8xf32, #tpu.memory_space<hbm>> -> memref<3200x8xf32, #tpu.memory_space<hbm>>
    %dma_wait3A_45 = arith.constant 0 : i32
    %dma_wait3A_46 = tpu.memref_slice %arg6[%multiple_of3A, %dma_wait3A_45] : memref<102400x8xf32, #tpu.memory_space<hbm>> -> memref<3200x8xf32, #tpu.memory_space<hbm>>
    tpu.wait_dma2 semaphore(%arg17 : memref<!tpu.dma_semaphore, #tpu.memory_space<semaphore_mem>>) src(%arg13 : memref<3200x8xf32, #tpu.memory_space<vmem>>) dst(%dma_wait3A_46 : memref<3200x8xf32, #tpu.memory_space<hbm>>)
    %barrier3A_47 = arith.constant 0 : index
    tpu.barrier barrier_id(%barrier3A_47)
    %scan3A_48 = arith.constant 0 : i32
    %scan3A_49 = arith.constant 0 : i32
    %scan3A_50 = arith.constant 16 : i32
    %scan3A_51 = arith.addi %scan3A_49, %scan3A_50 : i32
    %scan3A_52 = arith.constant 1 : i32
    scf.for %scan3A_54 = %scan3A_49 to %scan3A_51 step %scan3A_52  : i32 {
      %mul3A_55 = arith.constant 196 : i32
      %mul3A_56 = arith.muli %scan3A_54, %mul3A_55 : i32
      %add3A_57 = arith.addi %multiple_of3A_5, %mul3A_56 : i32
      %multiple_of3A_58 = tpu.assume_multiple %add3A_57, 8 : i32
      %mul3A_59 = arith.constant 50176 : i32
      %mul3A_60 = arith.muli %arg0, %mul3A_59 : i32
      %add3A_61 = arith.addi %mul3A_60, %multiple_of3A_58 : i32
      %multiple_of3A_62 = tpu.assume_multiple %add3A_61, 8 : i32
      "tpu.region"() ({
        %run_scoped3A = tpu.sem_alloc : memref<!tpu.dma_semaphore, #tpu.memory_space<semaphore_mem>>
        %dma_start3A_63 = arith.constant 0 : i32
        %dma_start3A_64 = tpu.memref_slice %arg15[%multiple_of3A_58, %dma_start3A_63] : memref<50176x8xf32, #tpu.memory_space<vmem_shared>> -> memref<196x8xf32, #tpu.memory_space<vmem_shared>>
        %dma_start3A_65 = arith.constant 0 : i32
        %dma_start3A_66 = tpu.memref_slice %arg15[%multiple_of3A_58, %dma_start3A_65] : memref<50176x8xf32, #tpu.memory_space<vmem_shared>> -> memref<196x8xf32, #tpu.memory_space<vmem_shared>>
        tpu.enqueue_dma source(%dma_start3A_66 : memref<196x8xf32, #tpu.memory_space<vmem_shared>>) target(%arg14 : memref<196x8xf32, #tpu.memory_space<vmem>>) target_semaphore(%run_scoped3A : memref<!tpu.dma_semaphore, #tpu.memory_space<semaphore_mem>>)
        %dma_wait3A_67 = arith.constant 0 : i32
        %dma_wait3A_68 = tpu.memref_slice %arg15[%multiple_of3A_58, %dma_wait3A_67] : memref<50176x8xf32, #tpu.memory_space<vmem_shared>> -> memref<196x8xf32, #tpu.memory_space<vmem_shared>>
        %dma_wait3A_69 = arith.constant 0 : i32
        %dma_wait3A_70 = tpu.memref_slice %arg15[%multiple_of3A_58, %dma_wait3A_69] : memref<50176x8xf32, #tpu.memory_space<vmem_shared>> -> memref<196x8xf32, #tpu.memory_space<vmem_shared>>
        tpu.wait_dma2 semaphore(%run_scoped3A : memref<!tpu.dma_semaphore, #tpu.memory_space<semaphore_mem>>) src(%dma_wait3A_70 : memref<196x8xf32, #tpu.memory_space<vmem_shared>>) dst(%arg14 : memref<196x8xf32, #tpu.memory_space<vmem>>)
        tpu.yield
      }) : () -> ()
      "tpu.region"() ({
        %run_scoped3A = tpu.sem_alloc : memref<!tpu.dma_semaphore, #tpu.memory_space<semaphore_mem>>
        %dma_start3A_63 = arith.constant 0 : i32
        %dma_start3A_64 = tpu.memref_slice %arg7[%multiple_of3A_62, %dma_start3A_63] : memref<100352x8xf32, #tpu.memory_space<hbm>> -> memref<196x8xf32, #tpu.memory_space<hbm>>
        %dma_start3A_65 = arith.constant 0 : i32
        %dma_start3A_66 = tpu.memref_slice %arg7[%multiple_of3A_62, %dma_start3A_65] : memref<100352x8xf32, #tpu.memory_space<hbm>> -> memref<196x8xf32, #tpu.memory_space<hbm>>
        tpu.enqueue_dma source(%arg14 : memref<196x8xf32, #tpu.memory_space<vmem>>) target(%dma_start3A_66 : memref<196x8xf32, #tpu.memory_space<hbm>>) target_semaphore(%run_scoped3A : memref<!tpu.dma_semaphore, #tpu.memory_space<semaphore_mem>>)
        %dma_wait3A_67 = arith.constant 0 : i32
        %dma_wait3A_68 = tpu.memref_slice %arg7[%multiple_of3A_62, %dma_wait3A_67] : memref<100352x8xf32, #tpu.memory_space<hbm>> -> memref<196x8xf32, #tpu.memory_space<hbm>>
        %dma_wait3A_69 = arith.constant 0 : i32
        %dma_wait3A_70 = tpu.memref_slice %arg7[%multiple_of3A_62, %dma_wait3A_69] : memref<100352x8xf32, #tpu.memory_space<hbm>> -> memref<196x8xf32, #tpu.memory_space<hbm>>
        tpu.wait_dma2 semaphore(%run_scoped3A : memref<!tpu.dma_semaphore, #tpu.memory_space<semaphore_mem>>) src(%arg14 : memref<196x8xf32, #tpu.memory_space<vmem>>) dst(%dma_wait3A_70 : memref<196x8xf32, #tpu.memory_space<hbm>>)
        tpu.yield
      }) : () -> ()
    }
    %scan3A_53 = arith.constant 16 : i32
    return
  }
}

#map = affine_map<(d0, d1) -> (0)>
#map1 = affine_map<(d0, d1) -> (0, 0)>
module attributes {stable_mosaic.version = 14 : i64} {
  func.func @_k3b(%arg0: i32, %arg1: i32, %arg2: memref<102400xi32, #tpu.memory_space<hbm>>, %arg3: memref<100000x128xi32, #tpu.memory_space<hbm>>, %arg4: memref<102400x128xi32, #tpu.memory_space<hbm>>, %arg5: memref<3200xi32, #tpu.memory_space<vmem>>, %arg6: memref<3x128x128xi32, #tpu.memory_space<vmem>>, %arg7: memref<!tpu.dma_semaphore, #tpu.memory_space<semaphore_mem>>, %arg8: memref<!tpu.dma_semaphore, #tpu.memory_space<semaphore_mem>>) attributes {dimension_semantics = [#tpu.dimension_semantics<core_parallel>, #tpu.dimension_semantics<subcore_parallel>], iteration_bounds = array<i64: 2, 16>, scalar_prefetch = 0 : i64, scratch_operands = 4 : i64, tpu.core_type = #tpu.core_type<sc_vector_subcore>, window_params = [{transform_indices = #map}, {transform_indices = #map1}, {transform_indices = #map1}]} {
    %mul3A = arith.constant 16 : i32
    %mul3A_0 = arith.muli %arg0, %mul3A : i32
    %add3A = arith.addi %mul3A_0, %arg1 : i32
    %mul3A_1 = arith.constant 3200 : i32
    %mul3A_2 = arith.muli %add3A, %mul3A_1 : i32
    %multiple_of3A = tpu.assume_multiple %mul3A_2, 128 : i32
    "tpu.region"() ({
      %run_scoped3A = tpu.sem_alloc : memref<!tpu.dma_semaphore, #tpu.memory_space<semaphore_mem>>
      %dma_start3A_41 = tpu.memref_slice %arg2[%multiple_of3A] : memref<102400xi32, #tpu.memory_space<hbm>> -> memref<3200xi32, #tpu.memory_space<hbm>>
      %dma_start3A_42 = tpu.memref_slice %arg2[%multiple_of3A] : memref<102400xi32, #tpu.memory_space<hbm>> -> memref<3200xi32, #tpu.memory_space<hbm>>
      tpu.enqueue_dma source(%dma_start3A_42 : memref<3200xi32, #tpu.memory_space<hbm>>) target(%arg5 : memref<3200xi32, #tpu.memory_space<vmem>>) target_semaphore(%run_scoped3A : memref<!tpu.dma_semaphore, #tpu.memory_space<semaphore_mem>>)
      %dma_wait3A_43 = tpu.memref_slice %arg2[%multiple_of3A] : memref<102400xi32, #tpu.memory_space<hbm>> -> memref<3200xi32, #tpu.memory_space<hbm>>
      %dma_wait3A_44 = tpu.memref_slice %arg2[%multiple_of3A] : memref<102400xi32, #tpu.memory_space<hbm>> -> memref<3200xi32, #tpu.memory_space<hbm>>
      tpu.wait_dma2 semaphore(%run_scoped3A : memref<!tpu.dma_semaphore, #tpu.memory_space<semaphore_mem>>) src(%dma_wait3A_44 : memref<3200xi32, #tpu.memory_space<hbm>>) dst(%arg5 : memref<3200xi32, #tpu.memory_space<vmem>>)
      tpu.yield
    }) : () -> ()
    %dma_start3A = arith.constant 0 : i32
    %dma_start3A_3 = arith.constant 0 : i32
    %dma_start3A_4 = arith.constant 0 : i32
    %dma_start3A_5 = tpu.memref_slice %arg6[%dma_start3A, %dma_start3A_3, %dma_start3A_4] : memref<3x128x128xi32, #tpu.memory_space<vmem>> -> memref<1x128x128xi32, #tpu.memory_space<vmem>>
    %dma_start3A_6 = tpu.memref_squeeze %dma_start3A_5 : memref<1x128x128xi32, #tpu.memory_space<vmem>> -> memref<128x128xi32, #tpu.memory_space<vmem>>
    %dma_start3A_7 = arith.constant 0 : i32
    %dma_start3A_8 = tpu.memref_slice %arg5[%dma_start3A_7] : memref<3200xi32, #tpu.memory_space<vmem>> -> memref<128xi32, #tpu.memory_space<vmem>>
    %dma_start3A_9 = arith.constant 0 : i32
    %dma_start3A_10 = arith.constant 0 : i32
    %dma_start3A_11 = tpu.memref_slice %arg3[%dma_start3A_9, %dma_start3A_10] : memref<100000x128xi32, #tpu.memory_space<hbm>> -> memref<100000x128xi32, #tpu.memory_space<hbm>>
    tpu.enqueue_indirect_dma source(%dma_start3A_11 : memref<100000x128xi32, #tpu.memory_space<hbm>>) target(%dma_start3A_6 : memref<128x128xi32, #tpu.memory_space<vmem>>) offsets(%dma_start3A_8 : memref<128xi32, #tpu.memory_space<vmem>>) semaphore(%arg7 : memref<!tpu.dma_semaphore, #tpu.memory_space<semaphore_mem>>)
    %dma_start3A_12 = arith.constant 1 : i32
    %dma_start3A_13 = arith.constant 0 : i32
    %dma_start3A_14 = arith.constant 0 : i32
    %dma_start3A_15 = tpu.memref_slice %arg6[%dma_start3A_12, %dma_start3A_13, %dma_start3A_14] : memref<3x128x128xi32, #tpu.memory_space<vmem>> -> memref<1x128x128xi32, #tpu.memory_space<vmem>>
    %dma_start3A_16 = tpu.memref_squeeze %dma_start3A_15 : memref<1x128x128xi32, #tpu.memory_space<vmem>> -> memref<128x128xi32, #tpu.memory_space<vmem>>
    %dma_start3A_17 = arith.constant 128 : i32
    %dma_start3A_18 = tpu.memref_slice %arg5[%dma_start3A_17] : memref<3200xi32, #tpu.memory_space<vmem>> -> memref<128xi32, #tpu.memory_space<vmem>>
    %dma_start3A_19 = arith.constant 0 : i32
    %dma_start3A_20 = arith.constant 0 : i32
    %dma_start3A_21 = tpu.memref_slice %arg3[%dma_start3A_19, %dma_start3A_20] : memref<100000x128xi32, #tpu.memory_space<hbm>> -> memref<100000x128xi32, #tpu.memory_space<hbm>>
    tpu.enqueue_indirect_dma source(%dma_start3A_21 : memref<100000x128xi32, #tpu.memory_space<hbm>>) target(%dma_start3A_16 : memref<128x128xi32, #tpu.memory_space<vmem>>) offsets(%dma_start3A_18 : memref<128xi32, #tpu.memory_space<vmem>>) semaphore(%arg7 : memref<!tpu.dma_semaphore, #tpu.memory_space<semaphore_mem>>)
    %scan3A = arith.constant 0 : i32
    %scan3A_22 = arith.constant 0 : i32
    %scan3A_23 = arith.constant 25 : i32
    %scan3A_24 = arith.addi %scan3A_22, %scan3A_23 : i32
    %scan3A_25 = arith.constant 1 : i32
    scf.for %scan3A_41 = %scan3A_22 to %scan3A_24 step %scan3A_25  : i32 {
      %ge3A = arith.constant 1 : i32
      %ge3A_42 = arith.cmpi sge, %scan3A_41, %ge3A : i32
      %convert_element_type3A = arith.extui %ge3A_42 : i1 to i32
      %cond3A = arith.constant 0 : i32
      %cond3A_43 = arith.cmpi ne, %convert_element_type3A, %cond3A : i32
      scf.if %cond3A_43 {
        %sub3A_102 = arith.constant 1 : i32
        %sub3A_103 = arith.subi %scan3A_41, %sub3A_102 : i32
        %jit3A_104 = arith.constant 3 : i32
        %eq3A_105 = arith.constant 0 : i32
        %eq3A_106 = arith.cmpi eq, %jit3A_104, %eq3A_105 : i32
        %jit3A_107 = arith.constant 1 : i32
        %select_n3A_108 = arith.select %eq3A_106, %jit3A_107, %jit3A_104 : i32
        %rem3A_109 = arith.remsi %sub3A_103, %select_n3A_108 : i32
        %ne3A_110 = arith.constant 0 : i32
        %ne3A_111 = arith.cmpi ne, %rem3A_109, %ne3A_110 : i32
        %lt3A_112 = arith.constant 0 : i32
        %lt3A_113 = arith.cmpi slt, %rem3A_109, %lt3A_112 : i32
        %lt3A_114 = arith.constant 0 : i32
        %lt3A_115 = arith.cmpi slt, %select_n3A_108, %lt3A_114 : i32
        %ne3A_116 = arith.xori %lt3A_113, %lt3A_115 : i1
        %and3A_117 = arith.andi %ne3A_116, %ne3A_111 : i1
        %add3A_118 = arith.addi %rem3A_109, %select_n3A_108 : i32
        %select_n3A_119 = arith.select %and3A_117, %add3A_118, %rem3A_109 : i32
        %sub3A_120 = arith.constant 1 : i32
        %sub3A_121 = arith.subi %scan3A_41, %sub3A_120 : i32
        %mul3A_122 = arith.constant 128 : i32
        %mul3A_123 = arith.muli %sub3A_121, %mul3A_122 : i32
        %add3A_124 = arith.addi %multiple_of3A, %mul3A_123 : i32
        %dma_wait3A_125 = arith.constant 0 : i32
        %dma_wait3A_126 = arith.constant 0 : i32
        %dma_wait3A_127 = tpu.memref_slice %arg6[%select_n3A_119, %dma_wait3A_125, %dma_wait3A_126] : memref<3x128x128xi32, #tpu.memory_space<vmem>> -> memref<1x128x128xi32, #tpu.memory_space<vmem>>
        %dma_wait3A_128 = tpu.memref_squeeze %dma_wait3A_127 : memref<1x128x128xi32, #tpu.memory_space<vmem>> -> memref<128x128xi32, #tpu.memory_space<vmem>>
        %dma_wait3A_129 = arith.constant 0 : i32
        %dma_wait3A_130 = tpu.memref_slice %arg4[%add3A_124, %dma_wait3A_129] : memref<102400x128xi32, #tpu.memory_space<hbm>> -> memref<128x128xi32, #tpu.memory_space<hbm>>
        %dma_wait3A_131 = arith.constant 0 : i32
        %dma_wait3A_132 = tpu.memref_slice %arg4[%add3A_124, %dma_wait3A_131] : memref<102400x128xi32, #tpu.memory_space<hbm>> -> memref<128x128xi32, #tpu.memory_space<hbm>>
        %dma_wait3A_133 = arith.constant 0 : i32
        %dma_wait3A_134 = arith.constant 0 : i32
        %dma_wait3A_135 = tpu.memref_slice %arg6[%select_n3A_119, %dma_wait3A_133, %dma_wait3A_134] : memref<3x128x128xi32, #tpu.memory_space<vmem>> -> memref<1x128x128xi32, #tpu.memory_space<vmem>>
        %dma_wait3A_136 = tpu.memref_squeeze %dma_wait3A_135 : memref<1x128x128xi32, #tpu.memory_space<vmem>> -> memref<128x128xi32, #tpu.memory_space<vmem>>
        tpu.wait_dma2 semaphore(%arg8 : memref<!tpu.dma_semaphore, #tpu.memory_space<semaphore_mem>>) src(%dma_wait3A_136 : memref<128x128xi32, #tpu.memory_space<vmem>>) dst(%dma_wait3A_132 : memref<128x128xi32, #tpu.memory_space<hbm>>)
      } else {
      }
      %add3A_44 = arith.constant 3 : i32
      %add3A_45 = arith.addi %scan3A_41, %add3A_44 : i32
      %sub3A = arith.constant 1 : i32
      %sub3A_46 = arith.subi %add3A_45, %sub3A : i32
      %lt3A = arith.constant 25 : i32
      %lt3A_47 = arith.cmpi slt, %sub3A_46, %lt3A : i32
      %convert_element_type3A_48 = arith.extui %lt3A_47 : i1 to i32
      %cond3A_49 = arith.constant 0 : i32
      %cond3A_50 = arith.cmpi ne, %convert_element_type3A_48, %cond3A_49 : i32
      scf.if %cond3A_50 {
        %add3A_102 = arith.constant 3 : i32
        %add3A_103 = arith.addi %scan3A_41, %add3A_102 : i32
        %sub3A_104 = arith.constant 1 : i32
        %sub3A_105 = arith.subi %add3A_103, %sub3A_104 : i32
        %mul3A_106 = arith.constant 128 : i32
        %mul3A_107 = arith.muli %sub3A_105, %mul3A_106 : i32
        %add3A_108 = arith.constant 3 : i32
        %add3A_109 = arith.addi %scan3A_41, %add3A_108 : i32
        %sub3A_110 = arith.constant 1 : i32
        %sub3A_111 = arith.subi %add3A_109, %sub3A_110 : i32
        %jit3A_112 = arith.constant 3 : i32
        %eq3A_113 = arith.constant 0 : i32
        %eq3A_114 = arith.cmpi eq, %jit3A_112, %eq3A_113 : i32
        %jit3A_115 = arith.constant 1 : i32
        %select_n3A_116 = arith.select %eq3A_114, %jit3A_115, %jit3A_112 : i32
        %rem3A_117 = arith.remsi %sub3A_111, %select_n3A_116 : i32
        %ne3A_118 = arith.constant 0 : i32
        %ne3A_119 = arith.cmpi ne, %rem3A_117, %ne3A_118 : i32
        %lt3A_120 = arith.constant 0 : i32
        %lt3A_121 = arith.cmpi slt, %rem3A_117, %lt3A_120 : i32
        %lt3A_122 = arith.constant 0 : i32
        %lt3A_123 = arith.cmpi slt, %select_n3A_116, %lt3A_122 : i32
        %ne3A_124 = arith.xori %lt3A_121, %lt3A_123 : i1
        %and3A_125 = arith.andi %ne3A_124, %ne3A_119 : i1
        %add3A_126 = arith.addi %rem3A_117, %select_n3A_116 : i32
        %select_n3A_127 = arith.select %and3A_125, %add3A_126, %rem3A_117 : i32
        %dma_start3A_128 = arith.constant 0 : i32
        %dma_start3A_129 = arith.constant 0 : i32
        %dma_start3A_130 = tpu.memref_slice %arg6[%select_n3A_127, %dma_start3A_128, %dma_start3A_129] : memref<3x128x128xi32, #tpu.memory_space<vmem>> -> memref<1x128x128xi32, #tpu.memory_space<vmem>>
        %dma_start3A_131 = tpu.memref_squeeze %dma_start3A_130 : memref<1x128x128xi32, #tpu.memory_space<vmem>> -> memref<128x128xi32, #tpu.memory_space<vmem>>
        %dma_start3A_132 = tpu.memref_slice %arg5[%mul3A_107] : memref<3200xi32, #tpu.memory_space<vmem>> -> memref<128xi32, #tpu.memory_space<vmem>>
        %dma_start3A_133 = arith.constant 0 : i32
        %dma_start3A_134 = arith.constant 0 : i32
        %dma_start3A_135 = tpu.memref_slice %arg3[%dma_start3A_133, %dma_start3A_134] : memref<100000x128xi32, #tpu.memory_space<hbm>> -> memref<100000x128xi32, #tpu.memory_space<hbm>>
        tpu.enqueue_indirect_dma source(%dma_start3A_135 : memref<100000x128xi32, #tpu.memory_space<hbm>>) target(%dma_start3A_131 : memref<128x128xi32, #tpu.memory_space<vmem>>) offsets(%dma_start3A_132 : memref<128xi32, #tpu.memory_space<vmem>>) semaphore(%arg7 : memref<!tpu.dma_semaphore, #tpu.memory_space<semaphore_mem>>)
      } else {
      }
      %mul3A_51 = arith.constant 128 : i32
      %mul3A_52 = arith.muli %scan3A_41, %mul3A_51 : i32
      %jit3A = arith.constant 3 : i32
      %eq3A = arith.constant 0 : i32
      %eq3A_53 = arith.cmpi eq, %jit3A, %eq3A : i32
      %jit3A_54 = arith.constant 1 : i32
      %select_n3A = arith.select %eq3A_53, %jit3A_54, %jit3A : i32
      %rem3A = arith.remsi %scan3A_41, %select_n3A : i32
      %ne3A = arith.constant 0 : i32
      %ne3A_55 = arith.cmpi ne, %rem3A, %ne3A : i32
      %lt3A_56 = arith.constant 0 : i32
      %lt3A_57 = arith.cmpi slt, %rem3A, %lt3A_56 : i32
      %lt3A_58 = arith.constant 0 : i32
      %lt3A_59 = arith.cmpi slt, %select_n3A, %lt3A_58 : i32
      %ne3A_60 = arith.xori %lt3A_57, %lt3A_59 : i1
      %and3A = arith.andi %ne3A_60, %ne3A_55 : i1
      %add3A_61 = arith.addi %rem3A, %select_n3A : i32
      %select_n3A_62 = arith.select %and3A, %add3A_61, %rem3A : i32
      %dma_wait3A_63 = arith.constant 0 : i32
      %dma_wait3A_64 = arith.constant 0 : i32
      %dma_wait3A_65 = tpu.memref_slice %arg6[%select_n3A_62, %dma_wait3A_63, %dma_wait3A_64] : memref<3x128x128xi32, #tpu.memory_space<vmem>> -> memref<1x128x128xi32, #tpu.memory_space<vmem>>
      %dma_wait3A_66 = tpu.memref_squeeze %dma_wait3A_65 : memref<1x128x128xi32, #tpu.memory_space<vmem>> -> memref<128x128xi32, #tpu.memory_space<vmem>>
      %dma_wait3A_67 = tpu.memref_slice %arg5[%mul3A_52] : memref<3200xi32, #tpu.memory_space<vmem>> -> memref<128xi32, #tpu.memory_space<vmem>>
      %dma_wait3A_68 = arith.constant 0 : i32
      %dma_wait3A_69 = arith.constant 0 : i32
      %dma_wait3A_70 = tpu.memref_slice %arg3[%dma_wait3A_68, %dma_wait3A_69] : memref<100000x128xi32, #tpu.memory_space<hbm>> -> memref<100000x128xi32, #tpu.memory_space<hbm>>
      tpu.wait_indirect_dma semaphore(%arg7 : memref<!tpu.dma_semaphore, #tpu.memory_space<semaphore_mem>>) src(%dma_wait3A_70 : memref<100000x128xi32, #tpu.memory_space<hbm>>) dst(%dma_wait3A_66 : memref<128x128xi32, #tpu.memory_space<vmem>>)
      %jit3A_71 = arith.constant 3 : i32
      %eq3A_72 = arith.constant 0 : i32
      %eq3A_73 = arith.cmpi eq, %jit3A_71, %eq3A_72 : i32
      %jit3A_74 = arith.constant 1 : i32
      %select_n3A_75 = arith.select %eq3A_73, %jit3A_74, %jit3A_71 : i32
      %rem3A_76 = arith.remsi %scan3A_41, %select_n3A_75 : i32
      %ne3A_77 = arith.constant 0 : i32
      %ne3A_78 = arith.cmpi ne, %rem3A_76, %ne3A_77 : i32
      %lt3A_79 = arith.constant 0 : i32
      %lt3A_80 = arith.cmpi slt, %rem3A_76, %lt3A_79 : i32
      %lt3A_81 = arith.constant 0 : i32
      %lt3A_82 = arith.cmpi slt, %select_n3A_75, %lt3A_81 : i32
      %ne3A_83 = arith.xori %lt3A_80, %lt3A_82 : i1
      %and3A_84 = arith.andi %ne3A_83, %ne3A_78 : i1
      %add3A_85 = arith.addi %rem3A_76, %select_n3A_75 : i32
      %select_n3A_86 = arith.select %and3A_84, %add3A_85, %rem3A_76 : i32
      %mul3A_87 = arith.constant 128 : i32
      %mul3A_88 = arith.muli %scan3A_41, %mul3A_87 : i32
      %add3A_89 = arith.addi %multiple_of3A, %mul3A_88 : i32
      %dma_start3A_90 = arith.constant 0 : i32
      %dma_start3A_91 = arith.constant 0 : i32
      %dma_start3A_92 = tpu.memref_slice %arg6[%select_n3A_86, %dma_start3A_90, %dma_start3A_91] : memref<3x128x128xi32, #tpu.memory_space<vmem>> -> memref<1x128x128xi32, #tpu.memory_space<vmem>>
      %dma_start3A_93 = tpu.memref_squeeze %dma_start3A_92 : memref<1x128x128xi32, #tpu.memory_space<vmem>> -> memref<128x128xi32, #tpu.memory_space<vmem>>
      %dma_start3A_94 = arith.constant 0 : i32
      %dma_start3A_95 = tpu.memref_slice %arg4[%add3A_89, %dma_start3A_94] : memref<102400x128xi32, #tpu.memory_space<hbm>> -> memref<128x128xi32, #tpu.memory_space<hbm>>
      %dma_start3A_96 = arith.constant 0 : i32
      %dma_start3A_97 = tpu.memref_slice %arg4[%add3A_89, %dma_start3A_96] : memref<102400x128xi32, #tpu.memory_space<hbm>> -> memref<128x128xi32, #tpu.memory_space<hbm>>
      %dma_start3A_98 = arith.constant 0 : i32
      %dma_start3A_99 = arith.constant 0 : i32
      %dma_start3A_100 = tpu.memref_slice %arg6[%select_n3A_86, %dma_start3A_98, %dma_start3A_99] : memref<3x128x128xi32, #tpu.memory_space<vmem>> -> memref<1x128x128xi32, #tpu.memory_space<vmem>>
      %dma_start3A_101 = tpu.memref_squeeze %dma_start3A_100 : memref<1x128x128xi32, #tpu.memory_space<vmem>> -> memref<128x128xi32, #tpu.memory_space<vmem>>
      tpu.enqueue_dma source(%dma_start3A_101 : memref<128x128xi32, #tpu.memory_space<vmem>>) target(%dma_start3A_97 : memref<128x128xi32, #tpu.memory_space<hbm>>) target_semaphore(%arg8 : memref<!tpu.dma_semaphore, #tpu.memory_space<semaphore_mem>>)
    }
    %scan3A_26 = arith.constant 25 : i32
    %add3A_27 = arith.constant 3072 : i32
    %add3A_28 = arith.addi %multiple_of3A, %add3A_27 : i32
    %dma_wait3A = arith.constant 0 : i32
    %dma_wait3A_29 = arith.constant 0 : i32
    %dma_wait3A_30 = arith.constant 0 : i32
    %dma_wait3A_31 = tpu.memref_slice %arg6[%dma_wait3A, %dma_wait3A_29, %dma_wait3A_30] : memref<3x128x128xi32, #tpu.memory_space<vmem>> -> memref<1x128x128xi32, #tpu.memory_space<vmem>>
    %dma_wait3A_32 = tpu.memref_squeeze %dma_wait3A_31 : memref<1x128x128xi32, #tpu.memory_space<vmem>> -> memref<128x128xi32, #tpu.memory_space<vmem>>
    %dma_wait3A_33 = arith.constant 0 : i32
    %dma_wait3A_34 = tpu.memref_slice %arg4[%add3A_28, %dma_wait3A_33] : memref<102400x128xi32, #tpu.memory_space<hbm>> -> memref<128x128xi32, #tpu.memory_space<hbm>>
    %dma_wait3A_35 = arith.constant 0 : i32
    %dma_wait3A_36 = tpu.memref_slice %arg4[%add3A_28, %dma_wait3A_35] : memref<102400x128xi32, #tpu.memory_space<hbm>> -> memref<128x128xi32, #tpu.memory_space<hbm>>
    %dma_wait3A_37 = arith.constant 0 : i32
    %dma_wait3A_38 = arith.constant 0 : i32
    %dma_wait3A_39 = tpu.memref_slice %arg6[%dma_wait3A, %dma_wait3A_37, %dma_wait3A_38] : memref<3x128x128xi32, #tpu.memory_space<vmem>> -> memref<1x128x128xi32, #tpu.memory_space<vmem>>
    %dma_wait3A_40 = tpu.memref_squeeze %dma_wait3A_39 : memref<1x128x128xi32, #tpu.memory_space<vmem>> -> memref<128x128xi32, #tpu.memory_space<vmem>>
    tpu.wait_dma2 semaphore(%arg8 : memref<!tpu.dma_semaphore, #tpu.memory_space<semaphore_mem>>) src(%dma_wait3A_40 : memref<128x128xi32, #tpu.memory_space<vmem>>) dst(%dma_wait3A_36 : memref<128x128xi32, #tpu.memory_space<hbm>>)
    return
  }
}

module attributes {stable_mosaic.version = 14 : i64} {
  func.func @_k1_body(%arg0: i32, %arg1: memref<2000x256xf32, #tpu.memory_space<vmem>>, %arg2: memref<256x8xf32, #tpu.memory_space<vmem>>, %arg3: memref<2000x8xf32, #tpu.memory_space<vmem>>, %arg4: memref<2000x128xi32, #tpu.memory_space<vmem>>) attributes {dimension_semantics = [#tpu.dimension_semantics<arbitrary>], iteration_bounds = array<i64: 50>, scalar_prefetch = 0 : i64, scratch_operands = 0 : i64, tpu.core_type = #tpu.core_type<tc>, window_params = [{transform_indices = @transform_0, window_bounds = array<i64: 2000, 256>}, {pipeline_mode = #tpu.pipeline_mode<synchronous>, transform_indices = @transform_1, window_bounds = array<i64: 256, 8>}, {transform_indices = @transform_2, window_bounds = array<i64: 2000, 8>}, {transform_indices = @transform_3, window_bounds = array<i64: 2000, 128>}]} {
    %get3A = arith.constant 0 : index
    %get3A_0 = arith.constant 0 : index
    %get3A_1 = vector.load %arg1[%get3A, %get3A_0] : memref<2000x256xf32, #tpu.memory_space<vmem>>, vector<2000x256xf32>
    %get3A_2 = arith.constant 0 : index
    %get3A_3 = arith.constant 0 : index
    %get3A_4 = vector.load %arg2[%get3A_2, %get3A_3] : memref<256x8xf32, #tpu.memory_space<vmem>>, vector<256x8xf32>
    %dot_general3A = arith.constant dense<0.000000e+00> : vector<2000x8xf32>
    %dot_general3A_5 = tpu.matmul %get3A_1, %get3A_4, %dot_general3A {dimension_numbers = #tpu.dot_dimension_numbers<[1], [0], [0], [1], [0, 0, 1, 1], [], []>, transpose_lhs_hint = false} : vector<2000x256xf32>, vector<256x8xf32>, vector<2000x8xf32> -> vector<2000x8xf32>
    %swap3A = arith.constant 0 : index
    %swap3A_6 = arith.constant 0 : index
    %swap3A_7 = vector.load %arg3[%swap3A, %swap3A_6] : memref<2000x8xf32, #tpu.memory_space<vmem>>, vector<2000x8xf32>
    tpu.vector_store %arg3[%swap3A, %swap3A_6], %dot_general3A_5 {strides = array<i32>} : memref<2000x8xf32, #tpu.memory_space<vmem>>, vector<2000x8xf32>,
    %slice3A = vector.extract_strided_slice %get3A_1 {offsets = [0, 0], sizes = [2000, 128], strides = [1, 1]} : vector<2000x256xf32> to vector<2000x128xf32>
    %bitcast3A = tpu.bitcast %slice3A : vector<2000x128xf32> -> vector<2000x128xi32>
    %add3A = arith.constant 32767 : i32
    %add3A_8 = vector.broadcast %add3A : i32 to vector<2000x128xi32>
    %add3A_9 = arith.addi %bitcast3A, %add3A_8 : vector<2000x128xi32>
    %shift_right_logical3A = arith.constant 16 : i32
    %shift_right_logical3A_10 = vector.broadcast %shift_right_logical3A : i32 to vector<2000x128xi32>
    %shift_right_logical3A_11 = arith.shrui %bitcast3A, %shift_right_logical3A_10 : vector<2000x128xi32>
    %and3A = arith.constant 1 : i32
    %and3A_12 = vector.broadcast %and3A : i32 to vector<2000x128xi32>
    %and3A_13 = arith.andi %shift_right_logical3A_11, %and3A_12 : vector<2000x128xi32>
    %add3A_14 = arith.addi %add3A_9, %and3A_13 : vector<2000x128xi32>
    %shift_right_logical3A_15 = arith.constant 16 : i32
    %shift_right_logical3A_16 = vector.broadcast %shift_right_logical3A_15 : i32 to vector<2000x128xi32>
    %shift_right_logical3A_17 = arith.shrui %add3A_14, %shift_right_logical3A_16 : vector<2000x128xi32>
    %slice3A_18 = vector.extract_strided_slice %get3A_1 {offsets = [0, 128], sizes = [2000, 128], strides = [1, 1]} : vector<2000x256xf32> to vector<2000x128xf32>
    %bitcast3A_19 = tpu.bitcast %slice3A_18 : vector<2000x128xf32> -> vector<2000x128xi32>
    %add3A_20 = arith.constant 32767 : i32
    %add3A_21 = vector.broadcast %add3A_20 : i32 to vector<2000x128xi32>
    %add3A_22 = arith.addi %bitcast3A_19, %add3A_21 : vector<2000x128xi32>
    %shift_right_logical3A_23 = arith.constant 16 : i32
    %shift_right_logical3A_24 = vector.broadcast %shift_right_logical3A_23 : i32 to vector<2000x128xi32>
    %shift_right_logical3A_25 = arith.shrui %bitcast3A_19, %shift_right_logical3A_24 : vector<2000x128xi32>
    %and3A_26 = arith.constant 1 : i32
    %and3A_27 = vector.broadcast %and3A_26 : i32 to vector<2000x128xi32>
    %and3A_28 = arith.andi %shift_right_logical3A_25, %and3A_27 : vector<2000x128xi32>
    %add3A_29 = arith.addi %add3A_22, %and3A_28 : vector<2000x128xi32>
    %shift_right_logical3A_30 = arith.constant 16 : i32
    %shift_right_logical3A_31 = vector.broadcast %shift_right_logical3A_30 : i32 to vector<2000x128xi32>
    %shift_right_logical3A_32 = arith.shrui %add3A_29, %shift_right_logical3A_31 : vector<2000x128xi32>
    %shift_left3A = arith.constant 16 : i32
    %shift_left3A_33 = vector.broadcast %shift_left3A : i32 to vector<2000x128xi32>
    %shift_left3A_34 = arith.shli %shift_right_logical3A_32, %shift_left3A_33 : vector<2000x128xi32>
    %or3A = arith.ori %shift_right_logical3A_17, %shift_left3A_34 : vector<2000x128xi32>
    %swap3A_35 = arith.constant 0 : index
    %swap3A_36 = arith.constant 0 : index
    %swap3A_37 = vector.load %arg4[%swap3A_35, %swap3A_36] : memref<2000x128xi32, #tpu.memory_space<vmem>>, vector<2000x128xi32>
    tpu.vector_store %arg4[%swap3A_35, %swap3A_36], %or3A {strides = array<i32>} : memref<2000x128xi32, #tpu.memory_space<vmem>>, vector<2000x128xi32>,
    return
  }
  func.func @transform_0(%arg0: i32) -> (i32, i32) {
    %c0_i32 = arith.constant 0 : i32
    %c0_i32_0 = arith.constant 0 : i32
    return %arg0, %c0_i32 : i32, i32
  }
  func.func @transform_1(%arg0: i32) -> (i32, i32) {
    %c0_i32 = arith.constant 0 : i32
    %c0_i32_0 = arith.constant 0 : i32
    %c0_i32_1 = arith.constant 0 : i32
    return %c0_i32, %c0_i32_0 : i32, i32
  }
  func.func @transform_2(%arg0: i32) -> (i32, i32) {
    %c0_i32 = arith.constant 0 : i32
    %c0_i32_0 = arith.constant 0 : i32
    return %arg0, %c0_i32 : i32, i32
  }
  func.func @transform_3(%arg0: i32) -> (i32, i32) {
    %c0_i32 = arith.constant 0 : i32
    %c0_i32_0 = arith.constant 0 : i32
    return %arg0, %c0_i32 : i32, i32
  }
}

module attributes {stable_mosaic.version = 14 : i64} {
  func.func @_k4_body(%arg0: i32, %arg1: memref<800x128xi32, #tpu.memory_space<vmem>>, %arg2: memref<800x8xf32, #tpu.memory_space<vmem>>, %arg3: memref<800x8xf32, #tpu.memory_space<vmem>>, %arg4: memref<800x8xf32, #tpu.memory_space<vmem>>, %arg5: memref<800x1xf32, #tpu.memory_space<vmem>>, %arg6: memref<800x256xf32, #tpu.memory_space<vmem>>, %arg7: memref<1024x256xbf16, #tpu.memory_space<vmem>>, %arg8: memref<1x256xf32, #tpu.memory_space<vmem>>, %arg9: memref<800x256xf32, #tpu.memory_space<vmem>>) attributes {dimension_semantics = [#tpu.dimension_semantics<arbitrary>], iteration_bounds = array<i64: 125>, scalar_prefetch = 0 : i64, scratch_operands = 0 : i64, tpu.core_type = #tpu.core_type<tc>, window_params = [{transform_indices = @transform_0, window_bounds = array<i64: 800, 128>}, {transform_indices = @transform_1, window_bounds = array<i64: 800, 8>}, {transform_indices = @transform_2, window_bounds = array<i64: 800, 8>}, {transform_indices = @transform_3, window_bounds = array<i64: 800, 8>}, {transform_indices = @transform_4, window_bounds = array<i64: 800, 1>}, {transform_indices = @transform_5, window_bounds = array<i64: 800, 256>}, {pipeline_mode = #tpu.pipeline_mode<synchronous>, transform_indices = @transform_6, window_bounds = array<i64: 1024, 256>}, {pipeline_mode = #tpu.pipeline_mode<synchronous>, transform_indices = @transform_7, window_bounds = array<i64: 1, 256>}, {transform_indices = @transform_8, window_bounds = array<i64: 800, 256>}]} {
    %get3A = arith.constant 0 : index
    %get3A_0 = arith.constant 0 : index
    %get3A_1 = vector.load %arg3[%get3A, %get3A_0] : memref<800x8xf32, #tpu.memory_space<vmem>>, vector<800x8xf32>
    %get3A_2 = arith.constant 0 : index
    %get3A_3 = arith.constant 0 : index
    %get3A_4 = vector.load %arg4[%get3A_2, %get3A_3] : memref<800x8xf32, #tpu.memory_space<vmem>>, vector<800x8xf32>
    %add3A = arith.addf %get3A_1, %get3A_4 : vector<800x8xf32>
    %get3A_5 = arith.constant 0 : index
    %get3A_6 = arith.constant 0 : index
    %get3A_7 = vector.load %arg5[%get3A_5, %get3A_6] : memref<800x1xf32, #tpu.memory_space<vmem>>, vector<800x1xf32>
    %sub3A = arith.constant 1.000000e+00 : f32
    %sub3A_8 = vector.broadcast %sub3A : f32 to vector<800x1xf32>
    %sub3A_9 = arith.subf %sub3A_8, %get3A_7 : vector<800x1xf32>
    %slice3A = vector.extract_strided_slice %add3A {offsets = [0, 0], sizes = [800, 4], strides = [1, 1]} : vector<800x8xf32> to vector<800x4xf32>
    %mul3A = vector.broadcast %sub3A_9 : vector<800x1xf32> to vector<800x4xf32>
    %mul3A_10 = arith.mulf %mul3A, %slice3A : vector<800x4xf32>
    %slice3A_11 = vector.extract_strided_slice %add3A {offsets = [0, 4], sizes = [800, 4], strides = [1, 1]} : vector<800x8xf32> to vector<800x4xf32>
    %mul3A_12 = vector.broadcast %get3A_7 : vector<800x1xf32> to vector<800x4xf32>
    %mul3A_13 = arith.mulf %mul3A_12, %slice3A_11 : vector<800x4xf32>
    %add3A_14 = arith.addf %mul3A_10, %mul3A_13 : vector<800x4xf32>
    %get3A_15 = arith.constant 0 : index
    %get3A_16 = arith.constant 0 : index
    %get3A_17 = vector.load %arg2[%get3A_15, %get3A_16] : memref<800x8xf32, #tpu.memory_space<vmem>>, vector<800x8xf32>
    %sub3A_18 = arith.constant 1.000000e+00 : f32
    %sub3A_19 = vector.broadcast %sub3A_18 : f32 to vector<800x1xf32>
    %sub3A_20 = arith.subf %sub3A_19, %get3A_7 : vector<800x1xf32>
    %slice3A_21 = vector.extract_strided_slice %get3A_17 {offsets = [0, 0], sizes = [800, 4], strides = [1, 1]} : vector<800x8xf32> to vector<800x4xf32>
    %mul3A_22 = vector.broadcast %sub3A_20 : vector<800x1xf32> to vector<800x4xf32>
    %mul3A_23 = arith.mulf %mul3A_22, %slice3A_21 : vector<800x4xf32>
    %slice3A_24 = vector.extract_strided_slice %get3A_17 {offsets = [0, 4], sizes = [800, 4], strides = [1, 1]} : vector<800x8xf32> to vector<800x4xf32>
    %mul3A_25 = vector.broadcast %get3A_7 : vector<800x1xf32> to vector<800x4xf32>
    %mul3A_26 = arith.mulf %mul3A_25, %slice3A_24 : vector<800x4xf32>
    %add3A_27 = arith.addf %mul3A_23, %mul3A_26 : vector<800x4xf32>
    %div3A = arith.divf %add3A_27, %add3A_14 : vector<800x4xf32>
    %get3A_28 = arith.constant 0 : index
    %get3A_29 = arith.constant 0 : index
    %get3A_30 = vector.load %arg1[%get3A_28, %get3A_29] : memref<800x128xi32, #tpu.memory_space<vmem>>, vector<800x128xi32>
    %shift_left3A = arith.constant 16 : i32
    %shift_left3A_31 = vector.broadcast %shift_left3A : i32 to vector<800x128xi32>
    %shift_left3A_32 = arith.shli %get3A_30, %shift_left3A_31 : vector<800x128xi32>
    %bitcast3A = tpu.bitcast %shift_left3A_32 : vector<800x128xi32> -> vector<800x128xf32>
    %and3A = arith.constant -65536 : i32
    %and3A_33 = vector.broadcast %and3A : i32 to vector<800x128xi32>
    %and3A_34 = arith.andi %get3A_30, %and3A_33 : vector<800x128xi32>
    %bitcast3A_35 = tpu.bitcast %and3A_34 : vector<800x128xi32> -> vector<800x128xf32>
    %slice3A_36 = vector.extract_strided_slice %div3A {offsets = [0, 0], sizes = [800, 1], strides = [1, 1]} : vector<800x4xf32> to vector<800x1xf32>
    %mul3A_37 = vector.broadcast %slice3A_36 : vector<800x1xf32> to vector<800x128xf32>
    %mul3A_38 = arith.mulf %bitcast3A, %mul3A_37 : vector<800x128xf32>
    %convert_element_type3A = arith.truncf %mul3A_38 : vector<800x128xf32> to vector<800x128xbf16>
    %mul3A_39 = vector.broadcast %slice3A_36 : vector<800x1xf32> to vector<800x128xf32>
    %mul3A_40 = arith.mulf %bitcast3A_35, %mul3A_39 : vector<800x128xf32>
    %convert_element_type3A_41 = arith.truncf %mul3A_40 : vector<800x128xf32> to vector<800x128xbf16>
    %slice3A_42 = vector.extract_strided_slice %div3A {offsets = [0, 1], sizes = [800, 1], strides = [1, 1]} : vector<800x4xf32> to vector<800x1xf32>
    %mul3A_43 = vector.broadcast %slice3A_42 : vector<800x1xf32> to vector<800x128xf32>
    %mul3A_44 = arith.mulf %bitcast3A, %mul3A_43 : vector<800x128xf32>
    %convert_element_type3A_45 = arith.truncf %mul3A_44 : vector<800x128xf32> to vector<800x128xbf16>
    %mul3A_46 = vector.broadcast %slice3A_42 : vector<800x1xf32> to vector<800x128xf32>
    %mul3A_47 = arith.mulf %bitcast3A_35, %mul3A_46 : vector<800x128xf32>
    %convert_element_type3A_48 = arith.truncf %mul3A_47 : vector<800x128xf32> to vector<800x128xbf16>
    %slice3A_49 = vector.extract_strided_slice %div3A {offsets = [0, 2], sizes = [800, 1], strides = [1, 1]} : vector<800x4xf32> to vector<800x1xf32>
    %mul3A_50 = vector.broadcast %slice3A_49 : vector<800x1xf32> to vector<800x128xf32>
    %mul3A_51 = arith.mulf %bitcast3A, %mul3A_50 : vector<800x128xf32>
    %convert_element_type3A_52 = arith.truncf %mul3A_51 : vector<800x128xf32> to vector<800x128xbf16>
    %mul3A_53 = vector.broadcast %slice3A_49 : vector<800x1xf32> to vector<800x128xf32>
    %mul3A_54 = arith.mulf %bitcast3A_35, %mul3A_53 : vector<800x128xf32>
    %convert_element_type3A_55 = arith.truncf %mul3A_54 : vector<800x128xf32> to vector<800x128xbf16>
    %slice3A_56 = vector.extract_strided_slice %div3A {offsets = [0, 3], sizes = [800, 1], strides = [1, 1]} : vector<800x4xf32> to vector<800x1xf32>
    %mul3A_57 = vector.broadcast %slice3A_56 : vector<800x1xf32> to vector<800x128xf32>
    %mul3A_58 = arith.mulf %bitcast3A, %mul3A_57 : vector<800x128xf32>
    %convert_element_type3A_59 = arith.truncf %mul3A_58 : vector<800x128xf32> to vector<800x128xbf16>
    %mul3A_60 = vector.broadcast %slice3A_56 : vector<800x1xf32> to vector<800x128xf32>
    %mul3A_61 = arith.mulf %bitcast3A_35, %mul3A_60 : vector<800x128xf32>
    %convert_element_type3A_62 = arith.truncf %mul3A_61 : vector<800x128xf32> to vector<800x128xbf16>
    %concatenate3A = tpu.concatenate %convert_element_type3A, %convert_element_type3A_41, %convert_element_type3A_45, %convert_element_type3A_48, %convert_element_type3A_52, %convert_element_type3A_55, %convert_element_type3A_59, %convert_element_type3A_62 in 1 : vector<800x128xbf16>, vector<800x128xbf16>, vector<800x128xbf16>, vector<800x128xbf16>, vector<800x128xbf16>, vector<800x128xbf16>, vector<800x128xbf16>, vector<800x128xbf16> -> vector<800x1024xbf16>
    %get3A_63 = arith.constant 0 : index
    %get3A_64 = arith.constant 0 : index
    %get3A_65 = vector.load %arg7[%get3A_63, %get3A_64] : memref<1024x256xbf16, #tpu.memory_space<vmem>>, vector<1024x256xbf16>
    %dot_general3A = arith.constant dense<0.000000e+00> : vector<800x256xf32>
    %dot_general3A_66 = tpu.matmul %concatenate3A, %get3A_65, %dot_general3A {dimension_numbers = #tpu.dot_dimension_numbers<[1], [0], [0], [1], [0, 0, 1, 1], [], []>, transpose_lhs_hint = false} : vector<800x1024xbf16>, vector<1024x256xbf16>, vector<800x256xf32> -> vector<800x256xf32>
    %get3A_67 = arith.constant 0 : index
    %get3A_68 = arith.constant 0 : index
    %get3A_69 = vector.load %arg6[%get3A_67, %get3A_68] : memref<800x256xf32, #tpu.memory_space<vmem>>, vector<800x256xf32>
    %add3A_70 = arith.addf %dot_general3A_66, %get3A_69 : vector<800x256xf32>
    %get3A_71 = arith.constant 0 : index
    %get3A_72 = arith.constant 0 : index
    %get3A_73 = vector.load %arg8[%get3A_71, %get3A_72] : memref<1x256xf32, #tpu.memory_space<vmem>>, vector<1x256xf32>
    %add3A_74 = vector.broadcast %get3A_73 : vector<1x256xf32> to vector<800x256xf32>
    %add3A_75 = arith.addf %add3A_70, %add3A_74 : vector<800x256xf32>
    %swap3A = arith.constant 0 : index
    %swap3A_76 = arith.constant 0 : index
    %swap3A_77 = vector.load %arg9[%swap3A, %swap3A_76] : memref<800x256xf32, #tpu.memory_space<vmem>>, vector<800x256xf32>
    tpu.vector_store %arg9[%swap3A, %swap3A_76], %add3A_75 {strides = array<i32>} : memref<800x256xf32, #tpu.memory_space<vmem>>, vector<800x256xf32>,
    return
  }
  func.func @transform_0(%arg0: i32) -> (i32, i32) {
    %c0_i32 = arith.constant 0 : i32
    %c0_i32_0 = arith.constant 0 : i32
    return %arg0, %c0_i32 : i32, i32
  }
  func.func @transform_1(%arg0: i32) -> (i32, i32) {
    %c0_i32 = arith.constant 0 : i32
    %c0_i32_0 = arith.constant 0 : i32
    return %arg0, %c0_i32 : i32, i32
  }
  func.func @transform_2(%arg0: i32) -> (i32, i32) {
    %c0_i32 = arith.constant 0 : i32
    %c0_i32_0 = arith.constant 0 : i32
    return %arg0, %c0_i32 : i32, i32
  }
  func.func @transform_3(%arg0: i32) -> (i32, i32) {
    %c0_i32 = arith.constant 0 : i32
    %c0_i32_0 = arith.constant 0 : i32
    return %arg0, %c0_i32 : i32, i32
  }
  func.func @transform_4(%arg0: i32) -> (i32, i32) {
    %c0_i32 = arith.constant 0 : i32
    %c0_i32_0 = arith.constant 0 : i32
    return %arg0, %c0_i32 : i32, i32
  }
  func.func @transform_5(%arg0: i32) -> (i32, i32) {
    %c0_i32 = arith.constant 0 : i32
    %c0_i32_0 = arith.constant 0 : i32
    return %arg0, %c0_i32 : i32, i32
  }
  func.func @transform_6(%arg0: i32) -> (i32, i32) {
    %c0_i32 = arith.constant 0 : i32
    %c0_i32_0 = arith.constant 0 : i32
    %c0_i32_1 = arith.constant 0 : i32
    return %c0_i32, %c0_i32_0 : i32, i32
  }
  func.func @transform_7(%arg0: i32) -> (i32, i32) {
    %c0_i32 = arith.constant 0 : i32
    %c0_i32_0 = arith.constant 0 : i32
    %c0_i32_1 = arith.constant 0 : i32
    return %c0_i32, %c0_i32_0 : i32, i32
  }
  func.func @transform_8(%arg0: i32) -> (i32, i32) {
    %c0_i32 = arith.constant 0 : i32
    %c0_i32_0 = arith.constant 0 : i32
    return %arg0, %c0_i32 : i32, i32
  }
}

</mosaic_0001>

<sc_bundles>
// kernel: kernel.10.cloned.1.call-start
scs
__scs_entry_jumppad:
0x0: {  	(pc) =	sbr.rel $0x88, $3  }
0x1: {  	(tag) =	ssettag $0x0;
	lr =	simm.s32 $0x1  }
0x2: {  	[smem:$0x3F9C] =	sst lr;
	_ =	strace $0xD0000000  }
0x3: {  	_ = 	snop  }
0x4: {  	_ = 	snop  }
0x5: {  	_ = 	snop  }
0x6: {  	_ = 	snop  }
0x7: {  	_ = 	snop  }
__scs_overlays_trampoline_lowered:
0x8: {  	[smem:$0x3FAB] =	sst s0  }
0x9: {  	[smem:$0x3FAC] =	sst s1  }
0xa: {  	[smem:$0x3FAD] =	sst s2  }
0xb: {  	[smem:$0x3FAE] =	sst s3  }
0xc: {  	[smem:$0x3FAF] =	sst s4  }
0xd: {  	[smem:$0x3FB0] =	sst s5  }
0xe: {  	[smem:$0x3FB1] =	sst s6  }
0xf: {  	[smem:$0x3FB2] =	sst s7  }
0x10: {  	[smem:$0x3FB3] =	sst s8  }
0x11: {  	[smem:$0x3FB4] =	sst s9;
	s0 =	simm.s32 @!p0 $0x0  }
0x12: {  	s1 =	sld [smem:$0x3F9A];
	s0 =	simm.s32 @p0 $0x1  }
0x13: {  	[smem:$0x3FB5] =	sst s0;
	s0 =	simm.s32 @!p1 $0x0  }
0x14: {  	s2 =	sld [smem:$0x3F99];
	s0 =	simm.s32 @p1 $0x1  }
0x15: {  	[smem:$0x3FB6] =	sst s0;
	s0 =	simm.s32 @!p2 $0x0  }
0x16: {  	s3 =	sld [smem:$0x3FDB];
	s0 =	simm.s32 @p2 $0x1  }
0x17: {  	s4 =	simm.s32 $0x1BF5;
	[smem:$0x3FB8] =	sst s0  }
0x18: {  	s0 =	sld [smem:$0x3F9B];
	_ =	swait.ge [sflag:s4], $0x0  }
0x19: {  	s7 =	sld [smem:$0x3F9C]  }
0x1a: {  	s8 =	sadd.s32 $0xFFFFE003, lr  }
0x1b: {  	s9 =	sadd.s32 $0xFFFFFEF7, lr;
	s5 =	simm.s32 $0xFFFFFFFF;
	p2 =	slt.u32 s8, $0xFFFFF086  }
0x1c: {  	p1 =	slt.u32 s9, $0xF7A;
	s5 =	simm.s32 @!p2 $0x0  }
0x1d: {  	s5 =	simm.s32 @p1 $0x1;
	p0 =	seq.s32 s7, s2  }
0x1e: {  	s7 =	smul.u32 @!p0 $0xF7A, s2;
	p2 =	seq.s32 @!p0 s5, $0x0  }
0x1f: {  	s9 =	smul.u32 $0xF7A, s1;
	s8 =	simm.s32 @!p0 $0x1BF5;
	p2 =	por !p2, p0  }
0x20: {  	[sflag:s8] =	ssyncset.s32 @!p0 $0xFFFFF086;
	s6 =	sadd.s32 @!p0 s3, s7;
	s7 =	simm.s32 @!p0 $0x108  }
0x21: {  	s3 =	sadd.s32 s3, s9;
	s6 =	sadd.s32 @!p0 $0x88, s6;
	s7 =	simm.s32 @p2 $0x1082  }
0x22: {  	[simem:s7], [sflag:s8] =	dma.local @!p0 [hbm:s6], $0xF7A  }
0x23: {  	s9 =	sor.u32 $0xD0000000, s2;
	s6 =	simm.s32 $0x108;
	_ =	swait.ge @!p0 [sflag:s8], $0x0  }
0x24: {  	s3 =	sadd.s32 $0x88, s3;
	s6 =	simm.s32 @!p1 $0x1082;
	[sflag:s4] =	ssyncset.s32 $0xFFFFF086  }
0x25: {  	[simem:s6], [sflag:s4] =	dma.local [hbm:s3], $0xF7A  }
0x26: {  	[smem:$0x3F9C] =	sst s1;
	(tag) =	ssettag s2;
	_ =	strace s9  }
0x27: {  	s1 =	sld [smem:$0x3FAC]  }
0x28: {  	s2 =	sld [smem:$0x3FAD]  }
0x29: {  	s4 =	sld [smem:$0x3FAF]  }
0x2a: {  	p0 =	seq.s32 s5, $0x0;
	s5 =	sld [smem:$0x3FB0]  }
0x2b: {  	s6 =	sld [smem:$0x3FB1]  }
0x2c: {  	s7 =	sld [smem:$0x3FB2]  }
0x2d: {  	s3 =	simm.s32 $0x108;
	s8 =	sld [smem:$0x3FB3]  }
0x2e: {  	s3 =	simm.s32 @!p0 $0x1082;
	s9 =	sld [smem:$0x3FB4]  }
0x2f: {  	lr =	sadd.s32 s0, s3;
	s0 =	sld [smem:$0x3FAB]  }
0x30: {  	s3 =	sld [smem:$0x3FAE]  }
0x31: {  	[smem:$0x3FB7] =	sst s10  }
0x32: {  	s10 =	sld [smem:$0x3FB5];
	_ =	sdelay $0x3  }
0x33: {  	p0 =	seq.s32 s10, $0x1;
	s10 =	sld [smem:$0x3FB7];
	_ =	sdelay $0x3  }
0x34: {  	[smem:$0x3FB7] =	sst s10  }
0x35: {  	s10 =	sld [smem:$0x3FB6];
	_ =	sdelay $0x3  }
0x36: {  	p1 =	seq.s32 s10, $0x1;
	s10 =	sld [smem:$0x3FB7];
	_ =	sdelay $0x3  }
0x37: {  	[smem:$0x3FB7] =	sst s10  }
0x38: {  	s10 =	sld [smem:$0x3FB8]  }
0x39: {  	_ = 	snop;
	(pc) =	sbr.ind lr, $3  }
0x3a: {  	_ = 	snop  }
0x3b: {  	_ = 	snop  }
0x3c: {  	p2 =	seq.s32 s10, $0x1;
	s10 =	sld [smem:$0x3FB7]  }
0x3d: {  	_ =	shalt  }
0x3e: {  	_ =	shalt  }
0x3f: {  	_ =	shalt  }
0x40: {  	_ =	shalt  }
0x41: {  	_ =	shalt  }
0x42: {  	_ =	shalt  }
0x43: {  	_ =	shalt  }
0x44: {  	_ =	shalt  }
0x45: {  	_ =	shalt  }
0x46: {  	_ =	shalt  }
0x47: {  	_ =	shalt  }
0x48: {  	_ =	shalt  }
0x49: {  	_ =	shalt  }
0x4a: {  	_ =	shalt  }
0x4b: {  	_ =	shalt  }
0x4c: {  	_ =	shalt  }
0x4d: {  	_ =	shalt  }
0x4e: {  	_ =	shalt  }
0x4f: {  	_ =	shalt  }
0x50: {  	_ =	shalt  }
0x51: {  	_ =	shalt  }
0x52: {  	_ =	shalt  }
0x53: {  	_ =	shalt  }
0x54: {  	_ =	shalt  }
0x55: {  	_ =	shalt  }
0x56: {  	_ =	shalt  }
0x57: {  	_ =	shalt  }
0x58: {  	_ =	shalt  }
0x59: {  	_ =	shalt  }
0x5a: {  	_ =	shalt  }
0x5b: {  	_ =	shalt  }
0x5c: {  	_ =	shalt  }
0x5d: {  	_ =	shalt  }
0x5e: {  	_ =	shalt  }
0x5f: {  	_ =	shalt  }
0x60: {  	_ =	shalt  }
0x61: {  	_ =	shalt  }
0x62: {  	_ =	shalt  }
0x63: {  	_ =	shalt  }
0x64: {  	_ =	shalt  }
0x65: {  	_ =	shalt  }
0x66: {  	_ =	shalt  }
0x67: {  	_ =	shalt  }
0x68: {  	_ =	shalt  }
0x69: {  	_ =	shalt  }
0x6a: {  	_ =	shalt  }
0x6b: {  	_ =	shalt  }
0x6c: {  	_ =	shalt  }
0x6d: {  	_ =	shalt  }
0x6e: {  	_ =	shalt  }
0x6f: {  	_ =	shalt  }
0x70: {  	_ =	shalt  }
0x71: {  	_ =	shalt  }
0x72: {  	_ =	shalt  }
0x73: {  	_ =	shalt  }
0x74: {  	_ =	shalt  }
0x75: {  	_ =	shalt  }
0x76: {  	_ =	shalt  }
0x77: {  	_ =	shalt  }
0x78: {  	_ =	shalt  }
0x79: {  	_ =	shalt  }
0x7a: {  	_ =	shalt  }
0x7b: {  	_ =	shalt  }
0x7c: {  	_ =	shalt  }
0x7d: {  	_ =	shalt  }
0x7e: {  	_ =	shalt  }
0x7f: {  	_ =	shalt  }
0x80: {  	_ =	shalt  }
0x81: {  	_ =	shalt  }
0x82: {  	_ =	shalt  }
0x83: {  	_ =	shalt  }
0x84: {  	_ =	shalt  }
0x85: {  	_ =	shalt  }
0x86: {  	_ =	shalt  }
0x87: {  	_ =	shalt  }
.Lfunc_end0:
.L_simem_size_0:
called_computation.1_lowered:
.L_overlay_start_0:
0x88: {  	s2 =	sld [smem:$0x3FD9]  }
0x89: {  	s3 =	sld [smem:$0x3FFE];
	_ =	sdelay $0x1  }
0x8a: {  	s1 =	srdreg.scid  }
0x8b: {  	s0 =	sand.u32 $0x1, s1  }
0x8c: {  	s17 =	sshll.u32 s0, $0xA;
	s2 =	sadd.s32 s3, s2  }
0x8d: {  	s2 =	sadd.s32 s2, s17  }
0x8e: {  	[smem:$0x3FC3] =	sst s2  }
0x8f: {  	_ = 	snop  }
0x90: {  	s2 =	sld [smem:$0x3FD0];
	(tm) =	ssettm $0x1  }
0x91: {  	s18 =	sld [smem:$0x3FFB];
	_ =	sdelay $0x3  }
0x92: {  	_ =	strace s18  }
0x93: {  	s3 =	sld [smem:$0x3FFC];
	_ =	sdelay $0x3  }
0x94: {  	_ =	strace s3  }
0x95: {  	s3 =	sld [smem:$0x3FFD];
	_ =	sdelay $0x3  }
0x96: {  	_ =	strace s3  }
0x97: {  	_ =	strace $0x8FFFFFFF  }
0x98: {  	s19 =	sld [smem:$0x3FDB];
	_ =	sdelay $0x1  }
0x99: {  	s4 =	simm.s32 $_scs_section_size  }
0x9a: {  	s5 =	simm.s32 $_size__tile_overlayer_lowered;
	s6 =	simm.s32 $_tile_overlayer_lowered  }
0x9b: {  	s22 =	simm.s32 $0x1BFF;
	s21 =	sshll.u32 s6, $0x1;
	s3 =	sadd.s32 s4, s19  }
0x9c: {  	s7 =	simm.s32 $0x0;
	s20 =	sshll.u32 s5, $0x1;
	s5 =	sadd.s32 s21, s3  }
0x9d: {  	[timem:s7], [sflag:s22] =	dma.local [hbm:s5], s20  }
0x9e: {  	_ =	swait.ge [sflag:s22], s20  }
0x9f: {  	s4 =	ssub.s32 $0x0, s20;
	[sflag:s22] =	ssyncset.done $0x0  }
0xa0: {  	[sflag:s22] =	ssyncadd.s32 s4;
	_ =	sdelay $0x1  }
0xa1: {  	s23 =	simm.s32 $0x1B8B  }
0xa2: {  	_ =	swait.ge [sflag:s23], $0x1  }
0xa3: {  	[sflag:s23] =	ssyncset.done $0x0  }
0xa4: {  	s25 =	simm.s32 $0x1B8E;
	s24 =	sld [smem:$0x3FFE];
	[sflag:s23] =	ssyncadd.s32 $0xFFFFFFFF  }
0xa5: {  	s26 =	simm.s32 $execute0_lowered;
	[smem:$0x3FD2] =	sst s25  }
0xa6: {  	s5 =	sshll.u32 s26, $0x1;
	_ =	strace $0x80000049;
	[dreg:$0x1] =	wrdreg $0xFFFFFFFF  }
0xa7: {  	s28 =	simm.s32 $_size_execute0_lowered;
	s3 =	sadd.s32 s3, s5;
	[dreg:$0x0] =	wrdreg $0x0  }
0xa8: {  	s5 =	sshll.u32 s28, $0x1;
	[dreg:$0x2] =	wrdreg s3  }
0xa9: {  	[dreg:$0x3] =	wrdreg s5  }
0xaa: {  	[dreg:$0x4] =	wrdreg $0xC0  }
0xab: {  	_ =	task [dreg:s7], $0x5FFFF  }
0xac: {  	[dreg:$0x1] =	wrdreg $0xFFFFFFFF  }
0xad: {  	[dreg:$0x0] =	wrdreg $0x60  }
0xae: {  	[dreg:$0x2] =	wrdreg s24  }
0xaf: {  	[dreg:$0x3] =	wrdreg s2  }
0xb0: {  	[dreg:$0x4] =	wrdreg $0x9  }
0xb1: {  	_ =	task.clear_ibuf [dreg:s7], $0x5FFFF;
	_ =	strace $0x90000049  }
0xb2: {  	s29 =	simm.s32 $0x9;
	_ =	strace $0x8000004B  }
0xb3: {  	_ =	swait.ge [sflag:s29], $0x1  }
0xb4: {  	[sflag:s29] =	ssyncadd.s32 $0xFFFFFFFF  }
0xb5: {  	_ =	strace $0x9000004B  }
0xb6: {  	_ =	sfence  }
0xb7: {  	s30 =	sld [smem:$0x0];
	_ =	sdelay $0x2  }
0xb8: {  	s31 =	sshll.u32 s1, $0xD;
	s1 =	sshrl.u32 s1, $0x2  }
0xb9: {  	s3 =	sand.u32 $0x4000, s31;
	s1 =	sadd.s32 s1, s30  }
0xba: {  	s0 =	sor.u32 s3, s0;
	s1 =	sshll.u32 s1, $0x11  }
0xbb: {  	s0 =	sor.u32 s1, s0  }
0xbc: {  	s0 =	sadd.s32 $0x8F2B, s0  }
0xbd: {  	[sflag:s0] =	ssyncadd.remote.s32 $0x1  }
0xbe: {  	_ =	sfence.sel $0xFFFF  }
0xbf: {  	[dreg:$0x0] =	wrdreg $0xFFFFFFFF;
	(pc) =	sbr.abs _section_cstart, $3  }
0xc0: {  	[dreg:$0x1] =	wrdreg $0xFFFFFFFF  }
0xc1: {  	_ =	task.clear_ibuf [dreg:s7], $0x2FFFF;
	_ =	strace $0x9FFFFFFF  }
0xc2: {  	(tm) =	ssettm $0x7FFFFFFF  }
0xc3: {  	_ =	shalt  }
tec
execute0_lowered:
.L_overlay_start_1:
0x0: {  	(tag) =	ssettag $0x1  }
0x1: {  	s4 =	rddreg [dreg:$0x0]  }
0x2: {  	s0 =	srdreg.scid;
	s5 =	rddreg [dreg:$0x1];
	s2 =	simm.s32 $0x0  }
0x3: {  	s11 =	simm.s32 $0x80;
	s12 =	simm.s32 $0x1;
	s3 =	sand.u32 $0x1, s0  }
0x4: {  	s13 =	simm.s32 $0x2580;
	s0 =	stileid.u32;
	s1 =	sshll.u32 s3, $0x4  }
0x5: {  	s14 =	simm.s32 $0x8980;
	s15 =	simm.s32 $0x0;
	s6 =	sor.u32 s0, s1  }
0x6: {  	[smem:$0x7FF] =	sst s2;
	s8 =	ssub.s32 $0x2, s3;
	s7 =	smul.u32 $0x190, s6  }
0x7: {  	s3 =	sadd.s32 $0x1C3400, s4;
	s9 =	sshrl.u32 s8, $0x1;
	s6 =	smul.u32 $0xC80, s6  }
0x8: {  	s1 =	rddreg [dreg:$0x2];
	_ =	strace $0x8000004A;
	s8 =	ssub.s32 s8, s9  }
0x9: {  	s9 =	simm.s32 $0xC80;
	s7 =	sadd.s32 s7, s4;
	s10 =	sadd.s32 s6, s4  }
0xa: {  	s5 =	sadd.s32 s5, s6;
	s4 =	sadd.s32 $0x4E00, s7;
	s6 =	sadd.s32 $0x1DBC00, s10  }
0xb: {  	v0 =	vlaneseq.u32;
	s7 =	smax.u32 s8, $0x1;
	s8 =	simm.s32 $0x2;
	s10 =	simm.s32 $0x1900  }
.LBB2_1:
0xc: {  	v1 =	vor.u32 s2, v0  }
0xd: {  	[tilespmem:s2], [sflag:$0x2] =	stream.linear.gather [hbm4b:s4+s2], $0xC80, $0x38;
	[tilespmem:$0xED80] =	vst v63  }
0xe: {  	_ =	swait.ge [sflag:s8], $0xC80  }
0xf: {  	[sflag:s8] =	ssyncset.done $0x0  }
0x10: {  	[sflag:s8] =	ssyncadd.s32 $0xFFFFF380  }
0x11: {  	v3 =	vld.idx.msk [tilespmem:v1+s2+$0x0], $0xffff;
	_ =	sdelay $0x1  }
0x12: {  	s16 =	simm.s32 $0x10  }
0x13: {  	v2 =	vor.u32 s16, v0;
	s16 =	simm.s32 $0x20  }
.LBB2_2:
0x14: {  	p0 =	sne.s32 s16, $0xC70  }
0x15: {  	v3 =	vshrl.u32 v3, $0x1  }
0x16: {  	[tilespmem:v1+s9+$0x0] =	vst.idx.msk $0xffff, v3;
	v3 =	vadd.s32 $0xC400, v3  }
0x17: {  	s17 =	simm.s32 $0x0;
	[tilespmem:v1+s10+$0x0] =	vst.idx.msk $0xffff, v3;
	v1 =	vmov v2  }
.Ltmp0:
0x18: {  	v3 =	vld.idx.msk [tilespmem:v2+s17+$0x0], $0xffff;
	(pc) =	sbr.rel @p0 .LBB2_2-.Ltmp0, $2  }
0x19: {  	_ =	sdelay $0x2  }
0x1a: {  	v2 =	vor.u32 s16, v0;
	s16 =	sadd.s32 $0x10, s16  }
0x1b: {  	_ =	sdelay $0x2  }
0x1c: {  	v3 =	vshrl.u32 v3, $0x1  }
0x1d: {  	[tilespmem:v1+s9+$0x0] =	vst.idx.msk $0xffff, v3;
	v3 =	vadd.s32 $0xC400, v3  }
0x1e: {  	[tilespmem:v1+s10+$0x0] =	vst.idx.msk $0xffff, v3  }
0x1f: {  	v1 =	vld.idx.msk [tilespmem:v2+s17+$0x0], $0xffff;
	_ =	sdelay $0x4  }
0x20: {  	v1 =	vshrl.u32 v1, $0x1  }
0x21: {  	p0 =	por $0x1, $0x1;
	[tilespmem:v2+s9+$0x0] =	vst.idx.msk $0xffff, v1;
	v1 =	vadd.s32 $0xC400, v1  }
.Ltmp1:
0x22: {  	s16 =	simm.s32 $0x2580;
	s31 =	simm.s32 $0xC80;
	[tilespmem:v2+s10+$0x0] =	vst.idx.msk $0xffff, v1;
	(pc) =	sbr.rel @!p0 .LBB2_5-.Ltmp1, $4  }
0x23: {  	[tilespmem:s16], [sflag:$0x1] =	stream.indirect.gather [hbm4b:s3+s11], $0x8, s31, s11, $0xb8;
	[tilespmem:$0xED80] =	vst v63  }
0x24: {  	s18 =	simm.s32 $0x1900;
	s17 =	simm.s32 $0x8980  }
0x25: {  	[tilespmem:s17], [sflag:$0x1] =	stream.indirect.gather [hbm4b:s3+s11], $0x8, s18, s11, $0xb8;
	[tilespmem:$0xED80] =	vst v63  }
0x26: {  	s18 =	simm.s32 $0x200  }
.LBB2_4:
0x27: {  	p0 =	sne.s32 s18, $0x3000  }
.Ltmp2:
0x28: {  	s19 =	sshra.s32 s18, $0x2;
	s18 =	sadd.s32 $0x200, s18;
	(pc) =	sbr.rel @p0 .LBB2_4-.Ltmp2, $4  }
0x29: {  	s16 =	sadd.s32 $0x400, s16;
	s20 =	sadd.s32 $0xC80, s19  }
0x2a: {  	[tilespmem:s16], [sflag:$0x1] =	stream.indirect.gather [hbm4b:s3+s11], $0x8, s20, s11, $0xb8;
	[tilespmem:$0xED80] =	vst v63  }
0x2b: {  	s17 =	sadd.s32 $0x400, s17;
	s19 =	sadd.s32 $0x1900, s19  }
0x2c: {  	[tilespmem:s17], [sflag:$0x1] =	stream.indirect.gather [hbm4b:s3+s11], $0x8, s19, s11, $0xb8;
	[tilespmem:$0xED80] =	vst v63  }
.LBB2_5:
0x2d: {  	_ =	swait.ge [sflag:s12], $0x400  }
0x2e: {  	[sflag:s12] =	ssyncset.done $0x0  }
0x2f: {  	[sflag:s12] =	ssyncadd.s32 $0xFFFFFC00  }
0x30: {  	_ =	swait.ge [sflag:s12], $0x400  }
0x31: {  	s16 =	simm.s32 $0x18;
	[sflag:s12] =	ssyncset.done $0x0  }
.LBB2_6:
0x32: {  	p0 =	sne.s32 s16, $0x1;
	s16 =	sadd.s32 $0xFFFFFFFF, s16;
	[sflag:s12] =	ssyncadd.s32 $0xFFFFFC00  }
.Ltmp3:
0x33: {  	_ =	swait.ge [sflag:s12], $0x400;
	(pc) =	sbr.rel @p0 .LBB2_6-.Ltmp3, $4  }
0x34: {  	[sflag:s12] =	ssyncset.done $0x0  }
0x35: {  	[sflag:s12] =	ssyncadd.s32 $0xFFFFFC00  }
0x36: {  	_ =	swait.ge [sflag:s12], $0x400  }
0x37: {  	[sflag:s12] =	ssyncset.done $0x0  }
0x38: {  	[sflag:s12] =	ssyncadd.s32 $0xFFFFFC00  }
0x39: {  	[hbm4b:s5+s2] =	stream.linear.scatter [tilespmem:s13], [sflag:$0x2], $0x6400, $0x38;
	[tilespmem:$0xED80] =	vst v63  }
0x3a: {  	s15 =	sadd.s32 $0x1, s15;
	_ =	swait.ge [sflag:s8], $0x6400  }
0x3b: {  	p0 =	sne.s32 s15, s7;
	[sflag:s8] =	ssyncset.done $0x0  }
.Ltmp4:
0x3c: {  	[sflag:s8] =	ssyncadd.s32 $0xFFFF9C00;
	(pc) =	sbr.rel @p0 .LBB2_1-.Ltmp4, $4  }
0x3d: {  	[hbm4b:s6+s2] =	stream.linear.scatter [tilespmem:s14], [sflag:$0x2], $0x6400, $0x38;
	[tilespmem:$0xED80] =	vst v63  }
0x3e: {  	_ =	swait.ge [sflag:s8], $0x6400  }
0x3f: {  	[sflag:s8] =	ssyncset.done $0x0  }
0x40: {  	[sflag:s8] =	ssyncadd.s32 $0xFFFF9C00  }
0x41: {  	_ =	sfence.sel $0x180000  }
0x42: {  	[bflag:$0x0] =	sbarrier.arrive $0xFFFF  }
0x43: {  	p0 =	sne.s32 s0, $0x0;
	_ =	strace $0x9000004A  }
0x44: {  	s0 =	sadd.s32 @!p0 $0x100000, s1;
	[bflag:$0x2] =	sbarrier.arrive $0xFFFF  }
0x45: {  	[sflag:s0] =	ssyncadd.tile.s32 @!p0 $0x1;
	_ =	shalt  }
.Lfunc_end2:
_tile_overlayer_lowered:
.L_overlay_start_2:
0x46: {  	(tag) =	ssettag $0x2  }
0x47: {  	s0 =	rddreg [dreg:$0x0];
	s2 =	stileid.u32  }
0x48: {  	s1 =	rddreg [dreg:$0x1];
	p0 =	sne.s32 s2, $0x0  }
0x49: {  	s3 =	rddreg [dreg:$0x2];
	[bflag:$0x3] =	sbarrier.arrive $0xFFFF;
	s2 =	simm.s32 @!p0 $0x1C02  }
0x4a: {  	[timem:s3], [sflag:s2] =	dma.local @!p0 [hbm:s0], s1  }
0x4b: {  	s0 =	simm.s32 @!p0 $0x2  }
0x4c: {  	_ =	swait.ge @!p0 [sflag:s0], s1  }
0x4d: {  	s1 =	ssub.s32 @!p0 $0x0, s1;
	[sflag:s0] =	ssyncset.done @!p0 $0x0  }
0x4e: {  	[sflag:s0] =	ssyncadd.s32 @!p0 s1  }
0x4f: {  	[bflag:$0x3] =	sbarrier.arrive $0xFFFF  }
0x50: {  	_ =	shalt  }

// kernel: kernel.13.cloned.1.call-start
scs
__scs_entry_jumppad:
0x0: {  	(pc) =	sbr.rel $0x88, $3  }
0x1: {  	(tag) =	ssettag $0x0;
	lr =	simm.s32 $0x1  }
0x2: {  	[smem:$0x3F9C] =	sst lr;
	_ =	strace $0xD0000000  }
0x3: {  	_ = 	snop  }
0x4: {  	_ = 	snop  }
0x5: {  	_ = 	snop  }
0x6: {  	_ = 	snop  }
0x7: {  	_ = 	snop  }
__scs_overlays_trampoline_lowered:
0x8: {  	[smem:$0x3FAB] =	sst s0  }
0x9: {  	[smem:$0x3FAC] =	sst s1  }
0xa: {  	[smem:$0x3FAD] =	sst s2  }
0xb: {  	[smem:$0x3FAE] =	sst s3  }
0xc: {  	[smem:$0x3FAF] =	sst s4  }
0xd: {  	[smem:$0x3FB0] =	sst s5  }
0xe: {  	[smem:$0x3FB1] =	sst s6  }
0xf: {  	[smem:$0x3FB2] =	sst s7  }
0x10: {  	[smem:$0x3FB3] =	sst s8  }
0x11: {  	[smem:$0x3FB4] =	sst s9;
	s0 =	simm.s32 @!p0 $0x0  }
0x12: {  	s1 =	sld [smem:$0x3F9A];
	s0 =	simm.s32 @p0 $0x1  }
0x13: {  	[smem:$0x3FB5] =	sst s0;
	s0 =	simm.s32 @!p1 $0x0  }
0x14: {  	s2 =	sld [smem:$0x3F99];
	s0 =	simm.s32 @p1 $0x1  }
0x15: {  	[smem:$0x3FB6] =	sst s0;
	s0 =	simm.s32 @!p2 $0x0  }
0x16: {  	s3 =	sld [smem:$0x3FDB];
	s0 =	simm.s32 @p2 $0x1  }
0x17: {  	s4 =	simm.s32 $0x1BF5;
	[smem:$0x3FB8] =	sst s0  }
0x18: {  	s0 =	sld [smem:$0x3F9B];
	_ =	swait.ge [sflag:s4], $0x0  }
0x19: {  	s7 =	sld [smem:$0x3F9C]  }
0x1a: {  	s8 =	sadd.s32 $0xFFFFE003, lr  }
0x1b: {  	s9 =	sadd.s32 $0xFFFFFEF7, lr;
	s5 =	simm.s32 $0xFFFFFFFF;
	p2 =	slt.u32 s8, $0xFFFFF086  }
0x1c: {  	p1 =	slt.u32 s9, $0xF7A;
	s5 =	simm.s32 @!p2 $0x0  }
0x1d: {  	s5 =	simm.s32 @p1 $0x1;
	p0 =	seq.s32 s7, s2  }
0x1e: {  	s7 =	smul.u32 @!p0 $0xF7A, s2;
	p2 =	seq.s32 @!p0 s5, $0x0  }
0x1f: {  	s9 =	smul.u32 $0xF7A, s1;
	s8 =	simm.s32 @!p0 $0x1BF5;
	p2 =	por !p2, p0  }
0x20: {  	[sflag:s8] =	ssyncset.s32 @!p0 $0xFFFFF086;
	s6 =	sadd.s32 @!p0 s3, s7;
	s7 =	simm.s32 @!p0 $0x108  }
0x21: {  	s3 =	sadd.s32 s3, s9;
	s6 =	sadd.s32 @!p0 $0x88, s6;
	s7 =	simm.s32 @p2 $0x1082  }
0x22: {  	[simem:s7], [sflag:s8] =	dma.local @!p0 [hbm:s6], $0xF7A  }
0x23: {  	s9 =	sor.u32 $0xD0000000, s2;
	s6 =	simm.s32 $0x108;
	_ =	swait.ge @!p0 [sflag:s8], $0x0  }
0x24: {  	s3 =	sadd.s32 $0x88, s3;
	s6 =	simm.s32 @!p1 $0x1082;
	[sflag:s4] =	ssyncset.s32 $0xFFFFF086  }
0x25: {  	[simem:s6], [sflag:s4] =	dma.local [hbm:s3], $0xF7A  }
0x26: {  	[smem:$0x3F9C] =	sst s1;
	(tag) =	ssettag s2;
	_ =	strace s9  }
0x27: {  	s1 =	sld [smem:$0x3FAC]  }
0x28: {  	s2 =	sld [smem:$0x3FAD]  }
0x29: {  	s4 =	sld [smem:$0x3FAF]  }
0x2a: {  	p0 =	seq.s32 s5, $0x0;
	s5 =	sld [smem:$0x3FB0]  }
0x2b: {  	s6 =	sld [smem:$0x3FB1]  }
0x2c: {  	s7 =	sld [smem:$0x3FB2]  }
0x2d: {  	s3 =	simm.s32 $0x108;
	s8 =	sld [smem:$0x3FB3]  }
0x2e: {  	s3 =	simm.s32 @!p0 $0x1082;
	s9 =	sld [smem:$0x3FB4]  }
0x2f: {  	lr =	sadd.s32 s0, s3;
	s0 =	sld [smem:$0x3FAB]  }
0x30: {  	s3 =	sld [smem:$0x3FAE]  }
0x31: {  	[smem:$0x3FB7] =	sst s10  }
0x32: {  	s10 =	sld [smem:$0x3FB5];
	_ =	sdelay $0x3  }
0x33: {  	p0 =	seq.s32 s10, $0x1;
	s10 =	sld [smem:$0x3FB7];
	_ =	sdelay $0x3  }
0x34: {  	[smem:$0x3FB7] =	sst s10  }
0x35: {  	s10 =	sld [smem:$0x3FB6];
	_ =	sdelay $0x3  }
0x36: {  	p1 =	seq.s32 s10, $0x1;
	s10 =	sld [smem:$0x3FB7];
	_ =	sdelay $0x3  }
0x37: {  	[smem:$0x3FB7] =	sst s10  }
0x38: {  	s10 =	sld [smem:$0x3FB8]  }
0x39: {  	_ = 	snop;
	(pc) =	sbr.ind lr, $3  }
0x3a: {  	_ = 	snop  }
0x3b: {  	_ = 	snop  }
0x3c: {  	p2 =	seq.s32 s10, $0x1;
	s10 =	sld [smem:$0x3FB7]  }
0x3d: {  	_ =	shalt  }
0x3e: {  	_ =	shalt  }
0x3f: {  	_ =	shalt  }
0x40: {  	_ =	shalt  }
0x41: {  	_ =	shalt  }
0x42: {  	_ =	shalt  }
0x43: {  	_ =	shalt  }
0x44: {  	_ =	shalt  }
0x45: {  	_ =	shalt  }
0x46: {  	_ =	shalt  }
0x47: {  	_ =	shalt  }
0x48: {  	_ =	shalt  }
0x49: {  	_ =	shalt  }
0x4a: {  	_ =	shalt  }
0x4b: {  	_ =	shalt  }
0x4c: {  	_ =	shalt  }
0x4d: {  	_ =	shalt  }
0x4e: {  	_ =	shalt  }
0x4f: {  	_ =	shalt  }
0x50: {  	_ =	shalt  }
0x51: {  	_ =	shalt  }
0x52: {  	_ =	shalt  }
0x53: {  	_ =	shalt  }
0x54: {  	_ =	shalt  }
0x55: {  	_ =	shalt  }
0x56: {  	_ =	shalt  }
0x57: {  	_ =	shalt  }
0x58: {  	_ =	shalt  }
0x59: {  	_ =	shalt  }
0x5a: {  	_ =	shalt  }
0x5b: {  	_ =	shalt  }
0x5c: {  	_ =	shalt  }
0x5d: {  	_ =	shalt  }
0x5e: {  	_ =	shalt  }
0x5f: {  	_ =	shalt  }
0x60: {  	_ =	shalt  }
0x61: {  	_ =	shalt  }
0x62: {  	_ =	shalt  }
0x63: {  	_ =	shalt  }
0x64: {  	_ =	shalt  }
0x65: {  	_ =	shalt  }
0x66: {  	_ =	shalt  }
0x67: {  	_ =	shalt  }
0x68: {  	_ =	shalt  }
0x69: {  	_ =	shalt  }
0x6a: {  	_ =	shalt  }
0x6b: {  	_ =	shalt  }
0x6c: {  	_ =	shalt  }
0x6d: {  	_ =	shalt  }
0x6e: {  	_ =	shalt  }
0x6f: {  	_ =	shalt  }
0x70: {  	_ =	shalt  }
0x71: {  	_ =	shalt  }
0x72: {  	_ =	shalt  }
0x73: {  	_ =	shalt  }
0x74: {  	_ =	shalt  }
0x75: {  	_ =	shalt  }
0x76: {  	_ =	shalt  }
0x77: {  	_ =	shalt  }
0x78: {  	_ =	shalt  }
0x79: {  	_ =	shalt  }
0x7a: {  	_ =	shalt  }
0x7b: {  	_ =	shalt  }
0x7c: {  	_ =	shalt  }
0x7d: {  	_ =	shalt  }
0x7e: {  	_ =	shalt  }
0x7f: {  	_ =	shalt  }
0x80: {  	_ =	shalt  }
0x81: {  	_ =	shalt  }
0x82: {  	_ =	shalt  }
0x83: {  	_ =	shalt  }
0x84: {  	_ =	shalt  }
0x85: {  	_ =	shalt  }
0x86: {  	_ =	shalt  }
0x87: {  	_ =	shalt  }
.Lfunc_end0:
.L_simem_size_0:
called_computation.2_lowered:
.L_overlay_start_0:
0x88: {  	s2 =	sld [smem:$0x3FD9]  }
0x89: {  	s3 =	sld [smem:$0x3FFE];
	_ =	sdelay $0x1  }
0x8a: {  	s1 =	srdreg.scid  }
0x8b: {  	s0 =	sand.u32 $0x1, s1  }
0x8c: {  	s17 =	sshll.u32 s0, $0xA;
	s2 =	sadd.s32 s3, s2  }
0x8d: {  	s2 =	sadd.s32 s2, s17  }
0x8e: {  	[smem:$0x3FC3] =	sst s2  }
0x8f: {  	_ = 	snop  }
0x90: {  	(tm) =	ssettm $0x1  }
0x91: {  	s18 =	sld [smem:$0x3FFB];
	_ =	sdelay $0x3  }
0x92: {  	_ =	strace s18  }
0x93: {  	s2 =	sld [smem:$0x3FFC];
	_ =	sdelay $0x3  }
0x94: {  	_ =	strace s2  }
0x95: {  	s2 =	sld [smem:$0x3FFD];
	_ =	sdelay $0x3  }
0x96: {  	_ =	strace s2  }
0x97: {  	_ =	strace $0x8FFFFFFF  }
0x98: {  	s19 =	sld [smem:$0x3FDB];
	_ =	sdelay $0x1  }
0x99: {  	s20 =	simm.s32 $_scs_section_size  }
0x9a: {  	s4 =	simm.s32 $_size__tile_overlayer_lowered;
	s5 =	simm.s32 $_tile_overlayer_lowered  }
0x9b: {  	s6 =	simm.s32 $0x1BFF;
	s21 =	sshll.u32 s5, $0x1;
	s3 =	sadd.s32 s20, s19  }
0x9c: {  	s22 =	simm.s32 $0x0;
	s4 =	sshll.u32 s4, $0x1;
	s5 =	sadd.s32 s21, s3  }
0x9d: {  	[timem:s22], [sflag:s6] =	dma.local [hbm:s5], s4  }
0x9e: {  	_ =	swait.ge [sflag:s6], s4  }
0x9f: {  	s4 =	ssub.s32 $0x0, s4;
	[sflag:s6] =	ssyncset.done $0x0  }
0xa0: {  	[sflag:s6] =	ssyncadd.s32 s4;
	_ =	sdelay $0x1  }
0xa1: {  	s23 =	simm.s32 $0x1B8B  }
0xa2: {  	_ =	swait.ge [sflag:s23], $0x1  }
0xa3: {  	[sflag:s23] =	ssyncset.done $0x0  }
0xa4: {  	[sflag:s23] =	ssyncadd.s32 $0xFFFFFFFF  }
0xa5: {  	s4 =	sld [smem:$0x0]  }
0xa6: {  	s5 =	sand.u32 $0xFFFFFFFE, s1  }
0xa7: {  	p0 =	sne.s32 s1, s5  }
0xa8: {  	s5 =	sshll.u32 @p0 s5, $0xE  }
0xa9: {  	s5 =	sadd.s32 @p0 $0x11B8D, s5;
	s6 =	sshll.u32 @p0 s4, $0x11  }
0xaa: {  	s5 =	sor.u32 @p0 s6, s5  }
0xab: {  	[sflag:s5] =	ssyncadd.remote.s32 @p0 $0x1;
	_ =	sdelay $0x1  }
0xac: {  	s5 =	simm.s32 @p0 $0x1B8D  }
0xad: {  	_ =	swait.eq @p0 [sflag:s5], $0x1  }
0xae: {  	[sflag:s5] =	ssyncadd.s32 @p0 $0xFFFFFFFF  }
0xaf: {  	s6 =	sshll.u32 @!p0 s1, $0xE  }
0xb0: {  	s6 =	sor.u32 @!p0 $0x4000, s6;
	s5 =	simm.s32 @!p0 $0x1B8D  }
0xb1: {  	s4 =	sshll.u32 @!p0 s4, $0x11;
	s6 =	sadd.s32 @!p0 $0x11B8D, s6;
	_ =	swait.eq @!p0 [sflag:s5], $0x1  }
0xb2: {  	s4 =	sor.u32 @!p0 s4, s6;
	[sflag:s5] =	ssyncadd.s32 @!p0 $0xFFFFFFFF  }
0xb3: {  	s25 =	simm.s32 $0x1B8E;
	s24 =	sld [smem:$0x3FFE];
	[sflag:s4] =	ssyncadd.remote.s32 @!p0 $0x1  }
0xb4: {  	s26 =	simm.s32 $execute0_lowered;
	[smem:$0x3FD2] =	sst s25  }
0xb5: {  	s5 =	sshll.u32 s26, $0x1;
	_ =	strace $0x8000004C;
	[dreg:$0x1] =	wrdreg $0xFFFFFFFF  }
0xb6: {  	s28 =	simm.s32 $_size_execute0_lowered;
	s3 =	sadd.s32 s3, s5;
	[dreg:$0x0] =	wrdreg $0x0  }
0xb7: {  	s5 =	sshll.u32 s28, $0x1;
	[dreg:$0x2] =	wrdreg s3  }
0xb8: {  	[dreg:$0x3] =	wrdreg s5  }
0xb9: {  	[dreg:$0x4] =	wrdreg $0xC0  }
0xba: {  	_ =	task [dreg:s22], $0x5FFFF  }
0xbb: {  	[dreg:$0x1] =	wrdreg $0xFFFFFFFF  }
0xbc: {  	[dreg:$0x0] =	wrdreg $0x60  }
0xbd: {  	[dreg:$0x2] =	wrdreg s24  }
0xbe: {  	[dreg:$0x3] =	wrdreg $0xA  }
0xbf: {  	_ =	task.clear_ibuf [dreg:s22], $0x4FFFF;
	_ =	strace $0x9000004C  }
0xc0: {  	s29 =	simm.s32 $0xA;
	_ =	strace $0x8000004E  }
0xc1: {  	_ =	swait.ge [sflag:s29], $0x1  }
0xc2: {  	[sflag:s29] =	ssyncadd.s32 $0xFFFFFFFF  }
0xc3: {  	_ =	strace $0x9000004E  }
0xc4: {  	_ =	sfence  }
0xc5: {  	s30 =	sld [smem:$0x0];
	_ =	sdelay $0x2  }
0xc6: {  	s31 =	sshll.u32 s1, $0xD;
	s1 =	sshrl.u32 s1, $0x2  }
0xc7: {  	s4 =	sand.u32 $0x4000, s31;
	s1 =	sadd.s32 s1, s30  }
0xc8: {  	s0 =	sor.u32 s4, s0;
	s1 =	sshll.u32 s1, $0x11  }
0xc9: {  	s0 =	sor.u32 s1, s0  }
0xca: {  	s0 =	sadd.s32 $0x8F2B, s0  }
0xcb: {  	[sflag:s0] =	ssyncadd.remote.s32 $0x1  }
0xcc: {  	_ =	sfence.sel $0xFFFF  }
0xcd: {  	[dreg:$0x0] =	wrdreg $0xFFFFFFFF;
	(pc) =	sbr.abs _section_cstart, $3  }
0xce: {  	[dreg:$0x1] =	wrdreg $0xFFFFFFFF  }
0xcf: {  	_ =	task.clear_ibuf [dreg:s22], $0x2FFFF;
	_ =	strace $0x9FFFFFFF  }
0xd0: {  	(tm) =	ssettm $0x7FFFFFFF  }
0xd1: {  	_ =	shalt  }
tec
execute0_lowered:
.L_overlay_start_1:
0x0: {  	(tag) =	ssettag $0x1  }
0x1: {  	s0 =	srdreg.scid  }
0x2: {  	s4 =	rddreg [dreg:$0x0];
	s2 =	simm.s32 $0x0;
	s9 =	simm.s32 $0xC80  }
0x3: {  	s10 =	simm.s32 $0x4C80;
	s11 =	simm.s32 $0x1;
	s12 =	simm.s32 $0x2  }
0x4: {  	s13 =	simm.s32 $0x0;
	s3 =	sand.u32 $0x1, s0;
	s0 =	stileid.u32  }
0x5: {  	[smem:$0x7FF] =	sst s2;
	s1 =	sshll.u32 s3, $0x4;
	s6 =	smul.u32 $0x640000, s3  }
0x6: {  	s7 =	smul.u32 $0x64000, s0;
	s31 =	ssub.s32 $0x2, s3;
	s1 =	sor.u32 s0, s1  }
0x7: {  	s3 =	sadd.s32 $0x8000, s4;
	s8 =	sshrl.u32 s31, $0x1;
	s5 =	smul.u32 $0x190, s1  }
0x8: {  	s1 =	rddreg [dreg:$0x1];
	_ =	strace $0x8000004D;
	s6 =	sadd.s32 s7, s6  }
0x9: {  	s7 =	ssub.s32 s31, s8;
	s6 =	sshrl.u32 s6, $0x3;
	s5 =	sadd.s32 s5, s4  }
0xa: {  	s8 =	simm.s32 $0x80;
	s6 =	sadd.s32 s6, s4;
	s4 =	sadd.s32 $0x1A7200, s5  }
0xb: {  	s5 =	smax.u32 s7, $0x1;
	s6 =	sadd.s32 $0x1F4C00, s6;
	s7 =	simm.s32 $0x3  }
.LBB2_1:
0xc: {  	[tilespmem:s2], [sflag:$0x3] =	stream.linear.gather [hbm4b:s4+s2], $0xC80, $0x38;
	[tilespmem:$0xCC80] =	vst v63  }
0xd: {  	_ =	swait.ge [sflag:s7], $0xC80  }
0xe: {  	[sflag:s7] =	ssyncset.done $0x0  }
0xf: {  	[sflag:s7] =	ssyncadd.s32 $0xFFFFF380  }
0x10: {  	[tilespmem:s9], [sflag:$0x1] =	stream.indirect.gather [hbm4b:s3+s8], $0x80, s2, s8, $0xb8;
	[tilespmem:$0xCC80] =	vst v63  }
0x11: {  	s14 =	simm.s32 $0x100;
	s15 =	smov.u32 s6;
	s16 =	simm.s32 $0x0  }
0x12: {  	[tilespmem:s10], [sflag:$0x1] =	stream.indirect.gather [hbm4b:s3+s8], $0x80, s8, s8, $0xb8;
	[tilespmem:$0xCC80] =	vst v63  }
.LBB2_2:
0x13: {  	p0 =	seq.s32 s16, $0x0  }
0x14: {  	s17 =	simm.s32 @!p0 $0x2  }
0x15: {  	p1 =	sgt.u32 @!p0 s16, $0x16;
	_ =	swait.ge @!p0 [sflag:s17], $0x4000  }
0x16: {  	p1 =	por p0, !p1;
	[sflag:s17] =	ssyncset.done @!p0 $0x0  }
0x17: {  	[sflag:s17] =	ssyncadd.s32 @!p0 $0xFFFFC000;
	s17 =	sadd.s32 @p1 $0x2, s16  }
0x18: {  	s18 =	smul.u32 @p1 $0xAB, s17;
	_ =	sdelay $0x1  }
0x19: {  	s18 =	sshrl.u32 @p1 s18, $0x9  }
0x1a: {  	s18 =	sand.u32 @p1 $0x7F, s18  }
0x1b: {  	s18 =	smul.u32 @p1 $0x3, s18;
	_ =	sdelay $0x1  }
0x1c: {  	s17 =	ssub.s32 @p1 s17, s18  }
0x1d: {  	s17 =	sand.u32 @p1 $0xFF, s17  }
0x1e: {  	s17 =	sshll.u32 @p1 s17, $0xE  }
0x1f: {  	s31 =	smul.u32 $0xAB, s16;
	s17 =	sor.u32 @p1 $0xC80, s17  }
0x20: {  	[tilespmem:s17], [sflag:$0x1] =	stream.indirect.gather @p1 [hbm4b:s3+s8], $0x80, s14, s8, $0xb8;
	[tilespmem:$0xCC80] =	vst v63  }
0x21: {  	s17 =	sshrl.u32 s31, $0x9  }
0x22: {  	s17 =	sand.u32 $0x7F, s17  }
0x23: {  	s17 =	smul.u32 $0x3, s17;
	_ =	sdelay $0x1  }
0x24: {  	s17 =	ssub.s32 s16, s17;
	s16 =	sadd.s32 $0x1, s16  }
0x25: {  	p0 =	sne.s32 s16, $0x19  }
.Ltmp0:
0x26: {  	_ =	swait.ge [sflag:s11], $0x4000;
	s17 =	sand.u32 $0xFF, s17;
	(pc) =	sbr.rel @p0 .LBB2_2-.Ltmp0, $4  }
0x27: {  	[sflag:s11] =	ssyncset.done $0x0;
	s17 =	sshll.u32 s17, $0xE  }
0x28: {  	[sflag:s11] =	ssyncadd.s32 $0xFFFFC000;
	s17 =	sor.u32 $0xC80, s17  }
0x29: {  	[hbm4b:s15+s2] =	stream.linear.scatter [tilespmem:s17], [sflag:$0x2], $0x4000, $0x38;
	[tilespmem:$0xCC80] =	vst v63  }
0x2a: {  	s14 =	sadd.s32 $0x80, s14;
	s15 =	sadd.s32 $0x800, s15  }
0x2b: {  	s13 =	sadd.s32 $0x1, s13  }
0x2c: {  	p0 =	sne.s32 s13, s5  }
.Ltmp1:
0x2d: {  	_ = 	snop;
	(pc) =	sbr.rel @p0 .LBB2_1-.Ltmp1, $4  }
0x2e: {  	_ = 	snop  }
0x2f: {  	_ =	swait.ge [sflag:s12], $0x4000  }
0x30: {  	[sflag:s12] =	ssyncset.done $0x0  }
0x31: {  	[sflag:s12] =	ssyncadd.s32 $0xFFFFC000  }
0x32: {  	_ =	sfence.sel $0x180000  }
0x33: {  	[bflag:$0x0] =	sbarrier.arrive $0xFFFF  }
0x34: {  	p0 =	sne.s32 s0, $0x0;
	_ =	strace $0x9000004D  }
0x35: {  	s0 =	sadd.s32 @!p0 $0x100000, s1;
	[bflag:$0x2] =	sbarrier.arrive $0xFFFF  }
0x36: {  	[sflag:s0] =	ssyncadd.tile.s32 @!p0 $0x1;
	_ =	shalt  }
.Lfunc_end2:
_tile_overlayer_lowered:
.L_overlay_start_2:
0x37: {  	(tag) =	ssettag $0x2  }
0x38: {  	s0 =	rddreg [dreg:$0x0];
	s2 =	stileid.u32  }
0x39: {  	s1 =	rddreg [dreg:$0x1];
	p0 =	sne.s32 s2, $0x0  }
0x3a: {  	s3 =	rddreg [dreg:$0x2];
	[bflag:$0x3] =	sbarrier.arrive $0xFFFF;
	s2 =	simm.s32 @!p0 $0x1C03  }
0x3b: {  	[timem:s3], [sflag:s2] =	dma.local @!p0 [hbm:s0], s1  }
0x3c: {  	s0 =	simm.s32 @!p0 $0x3  }
0x3d: {  	_ =	swait.ge @!p0 [sflag:s0], s1  }
0x3e: {  	s1 =	ssub.s32 @!p0 $0x0, s1;
	[sflag:s0] =	ssyncset.done @!p0 $0x0  }
0x3f: {  	[sflag:s0] =	ssyncadd.s32 @!p0 s1  }
0x40: {  	[bflag:$0x3] =	sbarrier.arrive $0xFFFF  }
0x41: {  	_ =	shalt  }

// kernel: kernel.7.cloned.1.call-start
scs
__scs_entry_jumppad:
0x0: {  	(pc) =	sbr.rel $0x88, $3  }
0x1: {  	(tag) =	ssettag $0x0;
	lr =	simm.s32 $0x1  }
0x2: {  	[smem:$0x3F9C] =	sst lr;
	_ =	strace $0xD0000000  }
0x3: {  	_ = 	snop  }
0x4: {  	_ = 	snop  }
0x5: {  	_ = 	snop  }
0x6: {  	_ = 	snop  }
0x7: {  	_ = 	snop  }
__scs_overlays_trampoline_lowered:
0x8: {  	[smem:$0x3FAB] =	sst s0  }
0x9: {  	[smem:$0x3FAC] =	sst s1  }
0xa: {  	[smem:$0x3FAD] =	sst s2  }
0xb: {  	[smem:$0x3FAE] =	sst s3  }
0xc: {  	[smem:$0x3FAF] =	sst s4  }
0xd: {  	[smem:$0x3FB0] =	sst s5  }
0xe: {  	[smem:$0x3FB1] =	sst s6  }
0xf: {  	[smem:$0x3FB2] =	sst s7  }
0x10: {  	[smem:$0x3FB3] =	sst s8  }
0x11: {  	[smem:$0x3FB4] =	sst s9;
	s0 =	simm.s32 @!p0 $0x0  }
0x12: {  	s1 =	sld [smem:$0x3F9A];
	s0 =	simm.s32 @p0 $0x1  }
0x13: {  	[smem:$0x3FB5] =	sst s0;
	s0 =	simm.s32 @!p1 $0x0  }
0x14: {  	s2 =	sld [smem:$0x3F99];
	s0 =	simm.s32 @p1 $0x1  }
0x15: {  	[smem:$0x3FB6] =	sst s0;
	s0 =	simm.s32 @!p2 $0x0  }
0x16: {  	s3 =	sld [smem:$0x3FDB];
	s0 =	simm.s32 @p2 $0x1  }
0x17: {  	s4 =	simm.s32 $0x1BF5;
	[smem:$0x3FB8] =	sst s0  }
0x18: {  	s0 =	sld [smem:$0x3F9B];
	_ =	swait.ge [sflag:s4], $0x0  }
0x19: {  	s7 =	sld [smem:$0x3F9C]  }
0x1a: {  	s8 =	sadd.s32 $0xFFFFE003, lr  }
0x1b: {  	s9 =	sadd.s32 $0xFFFFFEF7, lr;
	s5 =	simm.s32 $0xFFFFFFFF;
	p2 =	slt.u32 s8, $0xFFFFF086  }
0x1c: {  	p1 =	slt.u32 s9, $0xF7A;
	s5 =	simm.s32 @!p2 $0x0  }
0x1d: {  	s5 =	simm.s32 @p1 $0x1;
	p0 =	seq.s32 s7, s2  }
0x1e: {  	s7 =	smul.u32 @!p0 $0xF7A, s2;
	p2 =	seq.s32 @!p0 s5, $0x0  }
0x1f: {  	s9 =	smul.u32 $0xF7A, s1;
	s8 =	simm.s32 @!p0 $0x1BF5;
	p2 =	por !p2, p0  }
0x20: {  	[sflag:s8] =	ssyncset.s32 @!p0 $0xFFFFF086;
	s6 =	sadd.s32 @!p0 s3, s7;
	s7 =	simm.s32 @!p0 $0x108  }
0x21: {  	s3 =	sadd.s32 s3, s9;
	s6 =	sadd.s32 @!p0 $0x88, s6;
	s7 =	simm.s32 @p2 $0x1082  }
0x22: {  	[simem:s7], [sflag:s8] =	dma.local @!p0 [hbm:s6], $0xF7A  }
0x23: {  	s9 =	sor.u32 $0xD0000000, s2;
	s6 =	simm.s32 $0x108;
	_ =	swait.ge @!p0 [sflag:s8], $0x0  }
0x24: {  	s3 =	sadd.s32 $0x88, s3;
	s6 =	simm.s32 @!p1 $0x1082;
	[sflag:s4] =	ssyncset.s32 $0xFFFFF086  }
0x25: {  	[simem:s6], [sflag:s4] =	dma.local [hbm:s3], $0xF7A  }
0x26: {  	[smem:$0x3F9C] =	sst s1;
	(tag) =	ssettag s2;
	_ =	strace s9  }
0x27: {  	s1 =	sld [smem:$0x3FAC]  }
0x28: {  	s2 =	sld [smem:$0x3FAD]  }
0x29: {  	s4 =	sld [smem:$0x3FAF]  }
0x2a: {  	p0 =	seq.s32 s5, $0x0;
	s5 =	sld [smem:$0x3FB0]  }
0x2b: {  	s6 =	sld [smem:$0x3FB1]  }
0x2c: {  	s7 =	sld [smem:$0x3FB2]  }
0x2d: {  	s3 =	simm.s32 $0x108;
	s8 =	sld [smem:$0x3FB3]  }
0x2e: {  	s3 =	simm.s32 @!p0 $0x1082;
	s9 =	sld [smem:$0x3FB4]  }
0x2f: {  	lr =	sadd.s32 s0, s3;
	s0 =	sld [smem:$0x3FAB]  }
0x30: {  	s3 =	sld [smem:$0x3FAE]  }
0x31: {  	[smem:$0x3FB7] =	sst s10  }
0x32: {  	s10 =	sld [smem:$0x3FB5];
	_ =	sdelay $0x3  }
0x33: {  	p0 =	seq.s32 s10, $0x1;
	s10 =	sld [smem:$0x3FB7];
	_ =	sdelay $0x3  }
0x34: {  	[smem:$0x3FB7] =	sst s10  }
0x35: {  	s10 =	sld [smem:$0x3FB6];
	_ =	sdelay $0x3  }
0x36: {  	p1 =	seq.s32 s10, $0x1;
	s10 =	sld [smem:$0x3FB7];
	_ =	sdelay $0x3  }
0x37: {  	[smem:$0x3FB7] =	sst s10  }
0x38: {  	s10 =	sld [smem:$0x3FB8]  }
0x39: {  	_ = 	snop;
	(pc) =	sbr.ind lr, $3  }
0x3a: {  	_ = 	snop  }
0x3b: {  	_ = 	snop  }
0x3c: {  	p2 =	seq.s32 s10, $0x1;
	s10 =	sld [smem:$0x3FB7]  }
0x3d: {  	_ =	shalt  }
0x3e: {  	_ =	shalt  }
0x3f: {  	_ =	shalt  }
0x40: {  	_ =	shalt  }
0x41: {  	_ =	shalt  }
0x42: {  	_ =	shalt  }
0x43: {  	_ =	shalt  }
0x44: {  	_ =	shalt  }
0x45: {  	_ =	shalt  }
0x46: {  	_ =	shalt  }
0x47: {  	_ =	shalt  }
0x48: {  	_ =	shalt  }
0x49: {  	_ =	shalt  }
0x4a: {  	_ =	shalt  }
0x4b: {  	_ =	shalt  }
0x4c: {  	_ =	shalt  }
0x4d: {  	_ =	shalt  }
0x4e: {  	_ =	shalt  }
0x4f: {  	_ =	shalt  }
0x50: {  	_ =	shalt  }
0x51: {  	_ =	shalt  }
0x52: {  	_ =	shalt  }
0x53: {  	_ =	shalt  }
0x54: {  	_ =	shalt  }
0x55: {  	_ =	shalt  }
0x56: {  	_ =	shalt  }
0x57: {  	_ =	shalt  }
0x58: {  	_ =	shalt  }
0x59: {  	_ =	shalt  }
0x5a: {  	_ =	shalt  }
0x5b: {  	_ =	shalt  }
0x5c: {  	_ =	shalt  }
0x5d: {  	_ =	shalt  }
0x5e: {  	_ =	shalt  }
0x5f: {  	_ =	shalt  }
0x60: {  	_ =	shalt  }
0x61: {  	_ =	shalt  }
0x62: {  	_ =	shalt  }
0x63: {  	_ =	shalt  }
0x64: {  	_ =	shalt  }
0x65: {  	_ =	shalt  }
0x66: {  	_ =	shalt  }
0x67: {  	_ =	shalt  }
0x68: {  	_ =	shalt  }
0x69: {  	_ =	shalt  }
0x6a: {  	_ =	shalt  }
0x6b: {  	_ =	shalt  }
0x6c: {  	_ =	shalt  }
0x6d: {  	_ =	shalt  }
0x6e: {  	_ =	shalt  }
0x6f: {  	_ =	shalt  }
0x70: {  	_ =	shalt  }
0x71: {  	_ =	shalt  }
0x72: {  	_ =	shalt  }
0x73: {  	_ =	shalt  }
0x74: {  	_ =	shalt  }
0x75: {  	_ =	shalt  }
0x76: {  	_ =	shalt  }
0x77: {  	_ =	shalt  }
0x78: {  	_ =	shalt  }
0x79: {  	_ =	shalt  }
0x7a: {  	_ =	shalt  }
0x7b: {  	_ =	shalt  }
0x7c: {  	_ =	shalt  }
0x7d: {  	_ =	shalt  }
0x7e: {  	_ =	shalt  }
0x7f: {  	_ =	shalt  }
0x80: {  	_ =	shalt  }
0x81: {  	_ =	shalt  }
0x82: {  	_ =	shalt  }
0x83: {  	_ =	shalt  }
0x84: {  	_ =	shalt  }
0x85: {  	_ =	shalt  }
0x86: {  	_ =	shalt  }
0x87: {  	_ =	shalt  }
.Lfunc_end0:
.L_simem_size_0:
called_computation_lowered:
.L_overlay_start_0:
0x88: {  	s2 =	sld [smem:$0x3FD9]  }
0x89: {  	s3 =	sld [smem:$0x3FFE];
	_ =	sdelay $0x1  }
0x8a: {  	s1 =	srdreg.scid  }
0x8b: {  	s0 =	sand.u32 $0x1, s1  }
0x8c: {  	s17 =	sshll.u32 s0, $0xA;
	s2 =	sadd.s32 s3, s2  }
0x8d: {  	s2 =	sadd.s32 s2, s17  }
0x8e: {  	[smem:$0x3FC3] =	sst s2  }
0x8f: {  	_ = 	snop  }
0x90: {  	s2 =	sld [smem:$0x3FD0];
	(tm) =	ssettm $0x1  }
0x91: {  	s18 =	sld [smem:$0x3FFB];
	_ =	sdelay $0x3  }
0x92: {  	_ =	strace s18  }
0x93: {  	s3 =	sld [smem:$0x3FFC];
	_ =	sdelay $0x3  }
0x94: {  	_ =	strace s3  }
0x95: {  	s3 =	sld [smem:$0x3FFD];
	_ =	sdelay $0x3  }
0x96: {  	_ =	strace s3  }
0x97: {  	_ =	strace $0x8FFFFFFF  }
0x98: {  	s19 =	sld [smem:$0x3FDB];
	_ =	sdelay $0x1  }
0x99: {  	s4 =	simm.s32 $_scs_section_size  }
0x9a: {  	s5 =	simm.s32 $_size__tile_overlayer_lowered;
	s6 =	simm.s32 $_tile_overlayer_lowered  }
0x9b: {  	s22 =	simm.s32 $0x1BFF;
	s21 =	sshll.u32 s6, $0x1;
	s3 =	sadd.s32 s4, s19  }
0x9c: {  	s7 =	simm.s32 $0x0;
	s20 =	sshll.u32 s5, $0x1;
	s5 =	sadd.s32 s21, s3  }
0x9d: {  	[timem:s7], [sflag:s22] =	dma.local [hbm:s5], s20  }
0x9e: {  	_ =	swait.ge [sflag:s22], s20  }
0x9f: {  	s4 =	ssub.s32 $0x0, s20;
	[sflag:s22] =	ssyncset.done $0x0  }
0xa0: {  	[sflag:s22] =	ssyncadd.s32 s4;
	_ =	sdelay $0x1  }
0xa1: {  	s23 =	simm.s32 $0x1B8B  }
0xa2: {  	_ =	swait.ge [sflag:s23], $0x1  }
0xa3: {  	[sflag:s23] =	ssyncset.done $0x0  }
0xa4: {  	s25 =	simm.s32 $0x1B8E;
	s24 =	sld [smem:$0x3FFE];
	[sflag:s23] =	ssyncadd.s32 $0xFFFFFFFF  }
0xa5: {  	s26 =	simm.s32 $execute0_lowered;
	[smem:$0x3FD2] =	sst s25  }
0xa6: {  	s5 =	sshll.u32 s26, $0x1;
	_ =	strace $0x80000046;
	[dreg:$0x1] =	wrdreg $0xFFFFFFFF  }
0xa7: {  	s28 =	simm.s32 $_size_execute0_lowered;
	s3 =	sadd.s32 s3, s5;
	[dreg:$0x0] =	wrdreg $0x0  }
0xa8: {  	s5 =	sshll.u32 s28, $0x1;
	[dreg:$0x2] =	wrdreg s3  }
0xa9: {  	[dreg:$0x3] =	wrdreg s5  }
0xaa: {  	[dreg:$0x4] =	wrdreg $0xC0  }
0xab: {  	_ =	task [dreg:s7], $0x5FFFF  }
0xac: {  	[dreg:$0x1] =	wrdreg $0xFFFFFFFF  }
0xad: {  	[dreg:$0x0] =	wrdreg $0x60  }
0xae: {  	[dreg:$0x2] =	wrdreg s24  }
0xaf: {  	[dreg:$0x3] =	wrdreg s2  }
0xb0: {  	[dreg:$0x4] =	wrdreg $0x157A00  }
0xb1: {  	[dreg:$0x5] =	wrdreg $0x9  }
0xb2: {  	_ =	task.clear_ibuf [dreg:s7], $0x6FFFF;
	_ =	strace $0x90000046  }
0xb3: {  	s29 =	simm.s32 $0x9;
	_ =	strace $0x80000048  }
0xb4: {  	_ =	swait.ge [sflag:s29], $0x1  }
0xb5: {  	[sflag:s29] =	ssyncadd.s32 $0xFFFFFFFF  }
0xb6: {  	_ =	strace $0x90000048  }
0xb7: {  	_ =	sfence  }
0xb8: {  	s30 =	sld [smem:$0x0];
	_ =	sdelay $0x2  }
0xb9: {  	s31 =	sshll.u32 s1, $0xD;
	s1 =	sshrl.u32 s1, $0x2  }
0xba: {  	s3 =	sand.u32 $0x4000, s31;
	s1 =	sadd.s32 s1, s30  }
0xbb: {  	s0 =	sor.u32 s3, s0;
	s1 =	sshll.u32 s1, $0x11  }
0xbc: {  	s0 =	sor.u32 s1, s0  }
0xbd: {  	s0 =	sadd.s32 $0x8F2B, s0  }
0xbe: {  	[sflag:s0] =	ssyncadd.remote.s32 $0x1  }
0xbf: {  	_ =	sfence.sel $0xFFFF  }
0xc0: {  	[dreg:$0x0] =	wrdreg $0xFFFFFFFF;
	(pc) =	sbr.abs _section_cstart, $3  }
0xc1: {  	[dreg:$0x1] =	wrdreg $0xFFFFFFFF  }
0xc2: {  	_ =	task.clear_ibuf [dreg:s7], $0x2FFFF;
	_ =	strace $0x9FFFFFFF  }
0xc3: {  	(tm) =	ssettm $0x7FFFFFFF  }
tec
execute0_lowered:
.L_overlay_start_1:
0x0: {  	(tag) =	ssettag $0x1  }
0x1: {  	s0 =	rddreg [dreg:$0x0]  }
0x2: {  	s1 =	srdreg.scid;
	s12 =	rddreg [dreg:$0x1]  }
0x3: {  	s3 =	rddreg [dreg:$0x2];
	s10 =	stileid.u32  }
0x4: {  	s4 =	simm.s32 $0x0;
	s14 =	simm.s32 $0x15180;
	s15 =	simm.s32 $0x3  }
0x5: {  	s16 =	simm.s32 $0xED80;
	s18 =	simm.s32 $0x80;
	s19 =	simm.s32 $0x1  }
0x6: {  	s20 =	simm.s32 $0x2580;
	s21 =	simm.s32 $0x8980;
	s22 =	simm.s32 $0x1900  }
0x7: {  	s31 =	simm.s32 $0x14580;
	s17 =	simm.s32 $0x14D80;
	s23 =	simm.s32 $0x2  }
0x8: {  	s24 =	simm.s32 $0x0;
	s1 =	sand.u32 $0x1, s1;
	s11 =	smul.u32 $0x18800, s10  }
0x9: {  	[smem:$0x7FF] =	sst s4;
	s6 =	sadd.s32 $0x18EA00, s0;
	s13 =	smul.u32 $0xC40, s10  }
0xa: {  	s2 =	sshll.u32 s1, $0x4;
	s7 =	smul.u32 $0xC400, s1;
	s1 =	ssub.s32 $0x2, s1  }
0xb: {  	_ =	strace $0x80000047;
	s2 =	sor.u32 s10, s2;
	s8 =	sshrl.u32 s1, $0x1  }
0xc: {  	s30 =	sshrl.u32 s11, $0x2;
	s5 =	smul.u32 $0xC80, s2;
	s1 =	ssub.s32 s1, s8  }
0xd: {  	s11 =	sadd.s32 s13, s12;
	s12 =	sadd.s32 s30, s3;
	s10 =	smax.u32 s1, $0x1  }
0xe: {  	s1 =	simm.s32 $0x14980;
	s2 =	sshrl.u32 s5, $0x3;
	s9 =	sadd.s32 s5, s0  }
0xf: {  	v0 =	vlaneseq.u32;
	s2 =	sadd.s32 s2, s0;
	s0 =	sadd.s32 s7, s0;
	s9 =	sadd.s32 $0x1AA400, s9  }
0x10: {  	v1 =	vand.u32 $0x7, v0;
	v3 =	vshrl.u32 v0, $0x3;
	s7 =	sadd.s32 $0x4E00, s2;
	s8 =	sadd.s32 $0x1A7200, s2;
	s0 =	sadd.s32 s13, s0  }
0x11: {  	v2 =	vor.u32 $0xFFFFFFF8, v1;
	v3 =	vmul.u32 $0x8, v3;
	s2 =	simm.s32 $0x2500;
	s13 =	sadd.s32 $0x1C3400, s0;
	s0 =	simm.s32 $0x2480  }
.LBB2_1:
0x12: {  	s25 =	sadd.s32 $0x0, s11  }
0x13: {  	[tilespmem:s14], [sflag:$0x3] =	stream.linear.gather [hbm4b:s25+s4], $0x620, $0x38;
	[tilespmem:$0x1B9A0] =	vst v63  }
0x14: {  	_ =	swait.ge [sflag:s15], $0x620  }
0x15: {  	[sflag:s15] =	ssyncset.done $0x0  }
0x16: {  	[sflag:s15] =	ssyncadd.s32 $0xFFFFF9E0  }
0x17: {  	[spmem:s12] =	stream.linear.scatter [tilespmem:s14], [sflag:$0x3], $0x620, $0x38;
	[tilespmem:$0x1B9A0] =	vst v63  }
0x18: {  	s26 =	simm.s32 $0xC4;
	_ =	swait.ge [sflag:s15], $0x620  }
0x19: {  	s28 =	simm.s32 $0x188;
	s25 =	sadd.s32 $0x620, s12;
	[sflag:s15] =	ssyncset.done $0x0  }
.LBB2_2:
0x1a: {  	s29 =	sadd.s32 s26, s11  }
0x1b: {  	[sflag:s15] =	ssyncadd.s32 $0xFFFFF9E0;
	s26 =	smov.u32 s28;
	s30 =	sadd.s32 $0xC4, s28  }
0x1c: {  	[tilespmem:s14], [sflag:$0x3] =	stream.linear.gather [hbm4b:s29+s4], $0x620, $0x38;
	[tilespmem:$0x1B9A0] =	vst v63  }
0x1d: {  	p0 =	sne.s32 s28, $0xB7C;
	_ =	swait.ge [sflag:s15], $0x620  }
.Ltmp0:
0x1e: {  	[sflag:s15] =	ssyncset.done $0x0;
	(pc) =	sbr.rel @p0 .LBB2_2-.Ltmp0, $4  }
0x1f: {  	[sflag:s15] =	ssyncadd.s32 $0xFFFFF9E0  }
0x20: {  	[spmem:s25] =	stream.linear.scatter [tilespmem:s14], [sflag:$0x3], $0x620, $0x38;
	[tilespmem:$0x1B9A0] =	vst v63  }
0x21: {  	_ =	swait.ge [sflag:s15], $0x620  }
0x22: {  	s28 =	smov.u32 s30;
	s25 =	sadd.s32 $0x620, s25;
	[sflag:s15] =	ssyncset.done $0x0  }
0x23: {  	s26 =	sadd.s32 s26, s11;
	[sflag:s15] =	ssyncadd.s32 $0xFFFFF9E0  }
0x24: {  	[tilespmem:s14], [sflag:$0x3] =	stream.linear.gather [hbm4b:s26+s4], $0x620, $0x38;
	[tilespmem:$0x1B9A0] =	vst v63  }
0x25: {  	_ =	swait.ge [sflag:s15], $0x620  }
0x26: {  	[sflag:s15] =	ssyncset.done $0x0  }
0x27: {  	[sflag:s15] =	ssyncadd.s32 $0xFFFFF9E0  }
0x28: {  	[spmem:s25] =	stream.linear.scatter [tilespmem:s14], [sflag:$0x3], $0x620, $0x38;
	[tilespmem:$0x1B9A0] =	vst v63  }
0x29: {  	_ =	swait.ge [sflag:s15], $0x620  }
0x2a: {  	[sflag:s15] =	ssyncset.done $0x0  }
0x2b: {  	[sflag:s15] =	ssyncadd.s32 $0xFFFFF9E0  }
0x2c: {  	s25 =	simm.s32 $0x0;
	s29 =	rddreg [dreg:$0x1]  }
0x2d: {  	[tilespmem:s16], [sflag:$0x3] =	stream.linear.gather [hbm4b:s29+s25], $0x6400, $0x38;
	[tilespmem:$0x1B9A0] =	vst v63  }
0x2e: {  	_ =	swait.ge [sflag:s15], $0x6400  }
0x2f: {  	[sflag:s15] =	ssyncset.done $0x0  }
0x30: {  	[sflag:s15] =	ssyncadd.s32 $0xFFFF9C00  }
0x31: {  	[tilespmem:s25], [sflag:$0x3] =	stream.linear.gather [hbm4b:s7+s25], $0xC80, $0x38;
	[tilespmem:$0x1B9A0] =	vst v63  }
0x32: {  	_ =	swait.ge [sflag:s15], $0xC80  }
0x33: {  	[sflag:s15] =	ssyncset.done $0x0  }
0x34: {  	s30 =	simm.s32 $0xC80;
	[sflag:s15] =	ssyncadd.s32 $0xFFFFF380  }
0x35: {  	[tilespmem:s30], [sflag:$0x3] =	stream.linear.gather [hbm4b:s8+s25], $0xC80, $0x38;
	[tilespmem:$0x1B9A0] =	vst v63  }
0x36: {  	_ =	swait.ge [sflag:s15], $0xC80  }
0x37: {  	s28 =	simm.s32 $0x2980;
	[sflag:s15] =	ssyncset.done $0x0  }
0x38: {  	s26 =	simm.s32 $0x2580;
	s29 =	simm.s32 $0x0;
	[sflag:s15] =	ssyncadd.s32 $0xFFFFF380  }
0x39: {  	[tilespmem:s26], [sflag:$0x1] =	stream.indirect.gather [hbm4b:s6+s18], $0x8, s29, s18, $0xb8;
	[tilespmem:$0x1B9A0] =	vst v63  }
0x3a: {  	s25 =	simm.s32 $0x8980;
	s30 =	simm.s32 $0xC80;
	s26 =	simm.s32 $0x200  }
0x3b: {  	[tilespmem:s25], [sflag:$0x1] =	stream.indirect.gather [hbm4b:s6+s18], $0x8, s30, s18, $0xb8;
	[tilespmem:$0x1B9A0] =	vst v63  }
.LBB2_4:
0x3c: {  	s29 =	sshra.s32 s26, $0x2;
	p0 =	sne.s32 s26, $0x3000;
	s26 =	sadd.s32 $0x200, s26  }
0x3d: {  	[tilespmem:s28], [sflag:$0x1] =	stream.indirect.gather [hbm4b:s6+s18], $0x8, s29, s18, $0xb8;
	[tilespmem:$0x1B9A0] =	vst v63  }
.Ltmp1:
0x3e: {  	_ = 	snop;
	(pc) =	sbr.rel @p0 .LBB2_4-.Ltmp1, $4  }
0x3f: {  	s25 =	sadd.s32 $0x400, s25;
	s29 =	sadd.s32 $0xC80, s29  }
0x40: {  	[tilespmem:s25], [sflag:$0x1] =	stream.indirect.gather [hbm4b:s6+s18], $0x8, s29, s18, $0xb8;
	[tilespmem:$0x1B9A0] =	vst v63  }
0x41: {  	_ = 	snop  }
0x42: {  	s28 =	sadd.s32 $0x400, s28  }
0x43: {  	[bflag:$0x0] =	sbarrier.arrive $0xFFFF  }
0x44: {  	_ =	swait.ge [sflag:s19], $0x400  }
0x45: {  	[sflag:s19] =	ssyncset.done $0x0  }
0x46: {  	[sflag:s19] =	ssyncadd.s32 $0xFFFFFC00  }
0x47: {  	_ =	swait.ge [sflag:s19], $0x400  }
0x48: {  	s25 =	simm.s32 $0x18;
	[sflag:s19] =	ssyncset.done $0x0  }
.LBB2_6:
0x49: {  	p0 =	sne.s32 s25, $0x1;
	s25 =	sadd.s32 $0xFFFFFFFF, s25;
	[sflag:s19] =	ssyncadd.s32 $0xFFFFFC00  }
.Ltmp2:
0x4a: {  	_ =	swait.ge [sflag:s19], $0x400;
	(pc) =	sbr.rel @p0 .LBB2_6-.Ltmp2, $4  }
0x4b: {  	[sflag:s19] =	ssyncset.done $0x0  }
0x4c: {  	[sflag:s19] =	ssyncadd.s32 $0xFFFFFC00  }
0x4d: {  	_ =	swait.ge [sflag:s19], $0x400  }
0x4e: {  	[sflag:s19] =	ssyncset.done $0x0  }
0x4f: {  	s25 =	simm.s32 $0x0  }
0x50: {  	v5 =	vor.u32 s25, v0  }
0x51: {  	v4 =	vshll.u32 v5, $0x3  }
0x52: {  	v6 =	vor.u32 $0x4, v4  }
0x53: {  	v7 =	vor.u32 $0x6, v4  }
0x54: {  	v8 =	vor.u32 $0x5, v4  }
0x55: {  	[sflag:s19] =	ssyncadd.s32 $0xFFFFFC00;
	v9 =	vor.u32 $0x1, v4  }
0x56: {  	v10 =	vor.u32 $0x7, v4;
	v12 =	vld.idx.msk [tilespmem:v4+s20+$0x0], $0xffff  }
0x57: {  	v11 =	vor.u32 $0x2, v4;
	v6 =	vld.idx.msk [tilespmem:v6+s21+$0x0], $0xffff  }
0x58: {  	v13 =	vor.u32 $0x3, v4;
	v7 =	vld.idx.msk [tilespmem:v7+s21+$0x0], $0xffff  }
0x59: {  	v8 =	vld.idx.msk [tilespmem:v8+s21+$0x0], $0xffff  }
0x5a: {  	v9 =	vld.idx.msk [tilespmem:v9+s20+$0x0], $0xffff  }
0x5b: {  	v10 =	vld.idx.msk [tilespmem:v10+s21+$0x0], $0xffff  }
0x5c: {  	v11 =	vld.idx.msk [tilespmem:v11+s20+$0x0], $0xffff  }
0x5d: {  	v13 =	vld.idx.msk [tilespmem:v13+s20+$0x0], $0xffff;
	_ =	sdelay $0x2  }
0x5e: {  	v8 =	vadd.f32 v8, v9  }
0x5f: {  	v6 =	vadd.f32 v6, v12  }
0x60: {  	v7 =	vadd.f32 v7, v11;
	v10 =	vadd.f32 v10, v13;
	v9 =	vmul.f32 $9.999999770e-03, v8  }
0x61: {  	v11 =	vmul.f32 $9.999999770e-03, v6;
	vm0 =	vge.f32 v8, $0.0e+00  }
0x62: {  	v63 =	vmul.f32 $9.999999770e-03, v7;
	v8 =	vsel vm0, v8, v9;
	v9 =	vmul.f32 $9.999999770e-03, v10  }
0x63: {  	vm15 =	vge.f32 v7, $0.0e+00;
	vm1 =	vge.f32 v6, $0.0e+00;
	vm2 =	vge.f32 v10, $0.0e+00  }
0x64: {  	v7 =	vsel vm15, v7, v63;
	v6 =	vsel vm1, v6, v11;
	v9 =	vsel vm2, v10, v9  }
0x65: {  	v10 =	vmax.f32 v6, v8;
	v11 =	vmax.f32 v7, v9  }
0x66: {  	v10 =	vmax.f32 v10, v11  }
0x67: {  	v7 =	vsub.f32 v7, v10  }
0x68: {  	v8 =	vsub.f32 v8, v10  }
0x69: {  	v6 =	vsub.f32 v6, v10;
	v7 =	vmul.f32 $1.442695020e+00, v7  }
0x6a: {  	v9 =	vsub.f32 v9, v10;
	v8 =	vmul.f32 $1.442695020e+00, v8  }
0x6b: {  	v6 =	vmul.f32 $1.442695020e+00, v6;
	(erf) = vpow2.f32 v7  }
0x6c: {  	v7 =	vmul.f32 $1.442695020e+00, v9;
	(erf) = vpow2.f32 v8  }
0x6d: {  	(erf) = vpow2.f32 v6  }
0x6e: {  	(erf) = vpow2.f32 v7;
	_ =	sdelay $0x5  }
0x6f: {  	v6 =	vpop (erf)  }
0x70: {  	v7 =	vpop (erf)  }
0x71: {  	v8 =	vpop (erf)  }
0x72: {  	v9 =	vpop (erf)  }
0x73: {  	v10 =	vadd.f32 v7, v8;
	v11 =	vadd.f32 v9, v6;
	_ =	sdelay $0x1  }
0x74: {  	v10 =	vadd.f32 v11, v10;
	_ =	sdelay $0x1  }
0x75: {  	(erf) = vrcp.f32 v10;
	_ =	sdelay $0x7  }
0x76: {  	v5 =	vand.u32 v2, v5  }
0x77: {  	v10 =	vpop (erf)  }
0x78: {  	v8 =	vmul.f32 v10, v8  }
0x79: {  	v11 =	vmov s25;
	v7 =	vmul.f32 v10, v7;
	v6 =	vmul.f32 v10, v6  }
0x7a: {  	v9 =	vmul.f32 v10, v9;
	v10 =	vand.u32 $0xFF8, v11;
	v8 =	vmul.f32 $1.442695020e+00, v8  }
0x7b: {  	v5 =	vld.idx.msk [tilespmem:v5+s4+$0x0], $0xffff;
	v10 =	vor.u32 v3, v10;
	v11 =	vmul.f32 $1.442695020e+00, v7  }
0x7c: {  	v7 =	vmul.f32 $1.442695020e+00, v6;
	v6 =	vor.u32 v1, v10;
	(erf) = vpow2.f32 v8  }
0x7d: {  	s26 =	simm.s32 $0x10;
	v8 =	vmul.f32 $1.442695020e+00, v9;
	(erf) = vpow2.f32 v11  }
.LBB2_8:
0x7e: {  	p0 =	sne.s32 s26, $0xC70;
	(erf) = vpow2.f32 v7;
	s28 =	smov.u32 s26;
	s26 =	sadd.s32 $0x10, s26  }
0x7f: {  	(erf) = vpow2.f32 v8  }
0x80: {  	v7 =	vshrl.u32 v5, $0x1;
	v5 =	vshll.u32 v5, $0x2  }
0x81: {  	[tilespmem:v6+s22+$0x0] =	vst.idx.msk $0xffff, v7;
	v6 =	vand.u32 $0x4, v5  }
0x82: {  	v5 =	vor.u32 s28, v0;
	v6 =	vor.u32 v4, v6  }
0x83: {  	v4 =	vshll.u32 v5, $0x3;
	v7 =	vor.u32 $0x1, v6  }
0x84: {  	s29 =	sadd.s32 s5, s25;
	s25 =	smov.u32 s28;
	v8 =	vor.u32 $0x4, v4;
	v9 =	vor.u32 $0x1, v4;
	v10 =	vor.u32 $0x2, v6  }
0x85: {  	p1 =	slt.u32 s29, $0x186A0;
	v11 =	vor.u32 $0x5, v4;
	v12 =	vor.u32 $0x2, v4;
	v13 =	vor.u32 $0x3, v6;
	v14 =	vpop (erf)  }
0x86: {  	v15 =	vor.u32 $0x6, v4;
	v16 =	vor.u32 $0x3, v4;
	v19 =	vpsel !p1, $0x0, v14;
	v17 =	vpop (erf)  }
0x87: {  	v18 =	vor.u32 $0x7, v4;
	[tilespmem:v6+s16+$0x0] =	vst.idx.msk $0xffff, v19;
	v6 =	vpsel !p1, $0x0, v17;
	v14 =	vpop (erf)  }
0x88: {  	[tilespmem:v7+s16+$0x0] =	vst.idx.msk $0xffff, v6;
	v6 =	vpsel !p1, $0x0, v14;
	v7 =	vpop (erf)  }
0x89: {  	[tilespmem:v10+s16+$0x0] =	vst.idx.msk $0xffff, v6;
	v6 =	vpsel !p1, $0x0, v7  }
0x8a: {  	[tilespmem:v13+s16+$0x0] =	vst.idx.msk $0xffff, v6  }
0x8b: {  	v6 =	vld.idx.msk [tilespmem:v8+s21+$0x0], $0xffff  }
0x8c: {  	v7 =	vld.idx.msk [tilespmem:v4+s20+$0x0], $0xffff  }
0x8d: {  	v8 =	vld.idx.msk [tilespmem:v15+s21+$0x0], $0xffff  }
0x8e: {  	v10 =	vld.idx.msk [tilespmem:v11+s21+$0x0], $0xffff  }
0x8f: {  	v9 =	vld.idx.msk [tilespmem:v9+s20+$0x0], $0xffff  }
0x90: {  	v11 =	vld.idx.msk [tilespmem:v18+s21+$0x0], $0xffff  }
0x91: {  	v12 =	vld.idx.msk [tilespmem:v12+s20+$0x0], $0xffff  }
0x92: {  	v6 =	vadd.f32 v6, v7;
	v7 =	vld.idx.msk [tilespmem:v16+s20+$0x0], $0xffff;
	_ =	sdelay $0x3  }
0x93: {  	v9 =	vadd.f32 v10, v9  }
0x94: {  	v8 =	vadd.f32 v8, v12  }
0x95: {  	v10 =	vmul.f32 $9.999999770e-03, v9;
	v7 =	vadd.f32 v11, v7  }
0x96: {  	vm0 =	vge.f32 v9, $0.0e+00;
	v11 =	vmul.f32 $9.999999770e-03, v6;
	v12 =	vmul.f32 $9.999999770e-03, v8  }
0x97: {  	v9 =	vsel vm0, v9, v10;
	vm0 =	vge.f32 v8, $0.0e+00;
	v10 =	vmul.f32 $9.999999770e-03, v7  }
0x98: {  	vm1 =	vge.f32 v6, $0.0e+00;
	v8 =	vsel vm0, v8, v12;
	vm0 =	vge.f32 v7, $0.0e+00  }
0x99: {  	v6 =	vsel vm1, v6, v11;
	v7 =	vsel vm0, v7, v10  }
0x9a: {  	v10 =	vmax.f32 v6, v9;
	v11 =	vmax.f32 v8, v7  }
0x9b: {  	v10 =	vmax.f32 v10, v11  }
0x9c: {  	v8 =	vsub.f32 v8, v10;
	v7 =	vsub.f32 v7, v10  }
0x9d: {  	v6 =	vsub.f32 v6, v10;
	v9 =	vsub.f32 v9, v10  }
0x9e: {  	v8 =	vmul.f32 $1.442695020e+00, v8;
	v7 =	vmul.f32 $1.442695020e+00, v7  }
0x9f: {  	v9 =	vmul.f32 $1.442695020e+00, v9  }
0xa0: {  	v6 =	vmul.f32 $1.442695020e+00, v6;
	(erf) = vpow2.f32 v8  }
0xa1: {  	(erf) = vpow2.f32 v9  }
0xa2: {  	(erf) = vpow2.f32 v6  }
0xa3: {  	(erf) = vpow2.f32 v7;
	_ =	sdelay $0x5  }
0xa4: {  	v6 =	vpop (erf)  }
0xa5: {  	v7 =	vpop (erf)  }
0xa6: {  	v8 =	vpop (erf)  }
0xa7: {  	v9 =	vpop (erf)  }
0xa8: {  	v10 =	vadd.f32 v7, v8;
	v11 =	vadd.f32 v9, v6;
	_ =	sdelay $0x1  }
0xa9: {  	v10 =	vadd.f32 v11, v10;
	_ =	sdelay $0x1  }
0xaa: {  	(erf) = vrcp.f32 v10;
	_ =	sdelay $0x6  }
0xab: {  	v5 =	vand.u32 v2, v5;
	_ =	sdelay $0x1  }
0xac: {  	v10 =	vpop (erf)  }
0xad: {  	v8 =	vmul.f32 v10, v8;
	v7 =	vmul.f32 v10, v7  }
.Ltmp3:
0xae: {  	v11 =	vmov s25;
	v6 =	vmul.f32 v10, v6;
	v9 =	vmul.f32 v10, v9;
	(pc) =	sbr.rel @p0 .LBB2_8-.Ltmp3, $4  }
0xaf: {  	v10 =	vand.u32 $0xFF8, v11;
	v5 =	vld.idx.msk [tilespmem:v5+s4+$0x0], $0xffff;
	v11 =	vmul.f32 $1.442695020e+00, v8;
	v12 =	vmul.f32 $1.442695020e+00, v7  }
0xb0: {  	v10 =	vor.u32 v3, v10;
	v7 =	vmul.f32 $1.442695020e+00, v6;
	v8 =	vmul.f32 $1.442695020e+00, v9  }
0xb1: {  	v6 =	vor.u32 v1, v10;
	(erf) = vpow2.f32 v11  }
0xb2: {  	(erf) = vpow2.f32 v12  }
0xb3: {  	_ =	sdelay $0x1  }
0xb4: {  	(erf) = vpow2.f32 v7  }
0xb5: {  	(erf) = vpow2.f32 v8  }
0xb6: {  	v61 =	vshll.u32 v5, $0x2  }
0xb7: {  	v7 =	vand.u32 $0x4, v61  }
0xb8: {  	s25 =	sadd.s32 s5, s25;
	v4 =	vor.u32 v4, v7  }
0xb9: {  	v5 =	vshrl.u32 v5, $0x1;
	p0 =	slt.u32 s25, $0x186A0;
	v7 =	vor.u32 $0x1, v4;
	v10 =	vpop (erf)  }
0xba: {  	[tilespmem:v6+s22+$0x0] =	vst.idx.msk $0xffff, v5;
	v62 =	vor.u32 $0x2, v4;
	v5 =	vpsel !p0, $0x0, v10  }
0xbb: {  	v9 =	vor.u32 $0x3, v4  }
0xbc: {  	v63 =	vpop (erf)  }
0xbd: {  	[tilespmem:v4+s16+$0x0] =	vst.idx.msk $0xffff, v5;
	v4 =	vpsel !p0, $0x0, v63;
	v5 =	vpop (erf)  }
0xbe: {  	[tilespmem:v7+s16+$0x0] =	vst.idx.msk $0xffff, v4;
	v4 =	vpsel !p0, $0x0, v5;
	v5 =	vpop (erf)  }
0xbf: {  	[tilespmem:v62+s16+$0x0] =	vst.idx.msk $0xffff, v4;
	v4 =	vpsel !p0, $0x0, v5  }
0xc0: {  	s26 =	simm.s32 $0x0;
	[tilespmem:v9+s16+$0x0] =	vst.idx.msk $0xffff, v4  }
0xc1: {  	[hbm4b:s9+s26] =	stream.linear.scatter [tilespmem:s16], [sflag:$0x2], $0x6400, $0x38;
	[tilespmem:$0x1B9A0] =	vst v63  }
0xc2: {  	_ = 	snop  }
0xc3: {  	[spmem:s3] =	stream.indirect.scatter.add.f32 [tilespmem:s16], [sflag:$0x1], $0x8, s22, s18, $0xb8;
	[tilespmem:$0x1B9A0] =	vst v63  }
0xc4: {  	s28 =	simm.s32 $0x1980;
	s26 =	simm.s32 $0xF180  }
0xc5: {  	[spmem:s3] =	stream.indirect.scatter.add.f32 [tilespmem:s26], [sflag:$0x1], $0x8, s28, s18, $0xb8;
	[tilespmem:$0x1B9A0] =	vst v63  }
0xc6: {  	s29 =	simm.s32 $0x1A00;
	s30 =	simm.s32 $0xF580  }
0xc7: {  	[spmem:s3] =	stream.indirect.scatter.add.f32 [tilespmem:s30], [sflag:$0x1], $0x8, s29, s18, $0xb8;
	[tilespmem:$0x1B9A0] =	vst v63  }
0xc8: {  	s26 =	simm.s32 $0x1A80;
	s28 =	simm.s32 $0xF980  }
0xc9: {  	[spmem:s3] =	stream.indirect.scatter.add.f32 [tilespmem:s28], [sflag:$0x1], $0x8, s26, s18, $0xb8;
	[tilespmem:$0x1B9A0] =	vst v63  }
0xca: {  	s29 =	simm.s32 $0x1B00;
	s30 =	simm.s32 $0xFD80  }
0xcb: {  	[spmem:s3] =	stream.indirect.scatter.add.f32 [tilespmem:s30], [sflag:$0x1], $0x8, s29, s18, $0xb8;
	[tilespmem:$0x1B9A0] =	vst v63  }
0xcc: {  	s26 =	simm.s32 $0x1B80;
	s28 =	simm.s32 $0x10180  }
0xcd: {  	[spmem:s3] =	stream.indirect.scatter.add.f32 [tilespmem:s28], [sflag:$0x1], $0x8, s26, s18, $0xb8;
	[tilespmem:$0x1B9A0] =	vst v63  }
0xce: {  	s29 =	simm.s32 $0x1C00;
	s30 =	simm.s32 $0x10580  }
0xcf: {  	[spmem:s3] =	stream.indirect.scatter.add.f32 [tilespmem:s30], [sflag:$0x1], $0x8, s29, s18, $0xb8;
	[tilespmem:$0x1B9A0] =	vst v63  }
0xd0: {  	s26 =	simm.s32 $0x1C80;
	s28 =	simm.s32 $0x10980  }
0xd1: {  	[spmem:s3] =	stream.indirect.scatter.add.f32 [tilespmem:s28], [sflag:$0x1], $0x8, s26, s18, $0xb8;
	[tilespmem:$0x1B9A0] =	vst v63  }
0xd2: {  	s29 =	simm.s32 $0x1D00;
	s30 =	simm.s32 $0x10D80  }
0xd3: {  	[spmem:s3] =	stream.indirect.scatter.add.f32 [tilespmem:s30], [sflag:$0x1], $0x8, s29, s18, $0xb8;
	[tilespmem:$0x1B9A0] =	vst v63  }
0xd4: {  	s26 =	simm.s32 $0x1D80;
	s28 =	simm.s32 $0x11180  }
0xd5: {  	[spmem:s3] =	stream.indirect.scatter.add.f32 [tilespmem:s28], [sflag:$0x1], $0x8, s26, s18, $0xb8;
	[tilespmem:$0x1B9A0] =	vst v63  }
0xd6: {  	s29 =	simm.s32 $0x1E00;
	s30 =	simm.s32 $0x11580  }
0xd7: {  	[spmem:s3] =	stream.indirect.scatter.add.f32 [tilespmem:s30], [sflag:$0x1], $0x8, s29, s18, $0xb8;
	[tilespmem:$0x1B9A0] =	vst v63  }
0xd8: {  	s26 =	simm.s32 $0x1E80;
	s28 =	simm.s32 $0x11980  }
0xd9: {  	[spmem:s3] =	stream.indirect.scatter.add.f32 [tilespmem:s28], [sflag:$0x1], $0x8, s26, s18, $0xb8;
	[tilespmem:$0x1B9A0] =	vst v63  }
0xda: {  	s29 =	simm.s32 $0x1F00;
	s30 =	simm.s32 $0x11D80  }
0xdb: {  	[spmem:s3] =	stream.indirect.scatter.add.f32 [tilespmem:s30], [sflag:$0x1], $0x8, s29, s18, $0xb8;
	[tilespmem:$0x1B9A0] =	vst v63  }
0xdc: {  	s26 =	simm.s32 $0x1F80;
	s28 =	simm.s32 $0x12180  }
0xdd: {  	[spmem:s3] =	stream.indirect.scatter.add.f32 [tilespmem:s28], [sflag:$0x1], $0x8, s26, s18, $0xb8;
	[tilespmem:$0x1B9A0] =	vst v63  }
0xde: {  	s29 =	simm.s32 $0x2000;
	s30 =	simm.s32 $0x12580  }
0xdf: {  	[spmem:s3] =	stream.indirect.scatter.add.f32 [tilespmem:s30], [sflag:$0x1], $0x8, s29, s18, $0xb8;
	[tilespmem:$0x1B9A0] =	vst v63  }
0xe0: {  	s26 =	simm.s32 $0x2080;
	s28 =	simm.s32 $0x12980  }
0xe1: {  	[spmem:s3] =	stream.indirect.scatter.add.f32 [tilespmem:s28], [sflag:$0x1], $0x8, s26, s18, $0xb8;
	[tilespmem:$0x1B9A0] =	vst v63  }
0xe2: {  	s29 =	simm.s32 $0x2100;
	s30 =	simm.s32 $0x12D80  }
0xe3: {  	[spmem:s3] =	stream.indirect.scatter.add.f32 [tilespmem:s30], [sflag:$0x1], $0x8, s29, s18, $0xb8;
	[tilespmem:$0x1B9A0] =	vst v63  }
0xe4: {  	s26 =	simm.s32 $0x2180;
	s28 =	simm.s32 $0x13180  }
0xe5: {  	[spmem:s3] =	stream.indirect.scatter.add.f32 [tilespmem:s28], [sflag:$0x1], $0x8, s26, s18, $0xb8;
	[tilespmem:$0x1B9A0] =	vst v63  }
0xe6: {  	s29 =	simm.s32 $0x2200;
	s30 =	simm.s32 $0x13580  }
0xe7: {  	[spmem:s3] =	stream.indirect.scatter.add.f32 [tilespmem:s30], [sflag:$0x1], $0x8, s29, s18, $0xb8;
	[tilespmem:$0x1B9A0] =	vst v63  }
0xe8: {  	s26 =	simm.s32 $0x2280;
	s28 =	simm.s32 $0x13980  }
0xe9: {  	[spmem:s3] =	stream.indirect.scatter.add.f32 [tilespmem:s28], [sflag:$0x1], $0x8, s26, s18, $0xb8;
	[tilespmem:$0x1B9A0] =	vst v63  }
0xea: {  	s29 =	simm.s32 $0x2300;
	s30 =	simm.s32 $0x13D80  }
0xeb: {  	[spmem:s3] =	stream.indirect.scatter.add.f32 [tilespmem:s30], [sflag:$0x1], $0x8, s29, s18, $0xb8;
	[tilespmem:$0x1B9A0] =	vst v63  }
0xec: {  	s26 =	simm.s32 $0x2380;
	s28 =	simm.s32 $0x14180  }
0xed: {  	[spmem:s3] =	stream.indirect.scatter.add.f32 [tilespmem:s28], [sflag:$0x1], $0x8, s26, s18, $0xb8;
	[tilespmem:$0x1B9A0] =	vst v63  }
0xee: {  	s29 =	simm.s32 $0x2400  }
0xef: {  	[spmem:s3] =	stream.indirect.scatter.add.f32 [tilespmem:s31], [sflag:$0x1], $0x8, s29, s18, $0xb8;
	[tilespmem:$0x1B9A0] =	vst v63  }
0xf0: {  	_ = 	snop  }
0xf1: {  	[spmem:s3] =	stream.indirect.scatter.add.f32 [tilespmem:s1], [sflag:$0x1], $0x8, s0, s18, $0xb8;
	[tilespmem:$0x1B9A0] =	vst v63  }
0xf2: {  	_ = 	snop  }
0xf3: {  	[spmem:s3] =	stream.indirect.scatter.add.f32 [tilespmem:s17], [sflag:$0x1], $0x8, s2, s18, $0xb8;
	[tilespmem:$0x1B9A0] =	vst v63  }
0xf4: {  	_ =	swait.ge [sflag:s19], $0x400  }
0xf5: {  	[sflag:s19] =	ssyncset.done $0x0  }
0xf6: {  	[sflag:s19] =	ssyncadd.s32 $0xFFFFFC00  }
0xf7: {  	_ =	swait.ge [sflag:s19], $0x400  }
0xf8: {  	[sflag:s19] =	ssyncset.done $0x0  }
0xf9: {  	[sflag:s19] =	ssyncadd.s32 $0xFFFFFC00  }
0xfa: {  	_ =	swait.ge [sflag:s19], $0x400  }
0xfb: {  	[sflag:s19] =	ssyncset.done $0x0  }
0xfc: {  	[sflag:s19] =	ssyncadd.s32 $0xFFFFFC00  }
0xfd: {  	_ =	swait.ge [sflag:s19], $0x400  }
0xfe: {  	[sflag:s19] =	ssyncset.done $0x0  }
0xff: {  	[sflag:s19] =	ssyncadd.s32 $0xFFFFFC00  }
0x100: {  	_ =	swait.ge [sflag:s19], $0x400  }
0x101: {  	[sflag:s19] =	ssyncset.done $0x0  }
0x102: {  	[sflag:s19] =	ssyncadd.s32 $0xFFFFFC00  }
0x103: {  	_ =	swait.ge [sflag:s19], $0x400  }
0x104: {  	[sflag:s19] =	ssyncset.done $0x0  }
0x105: {  	[sflag:s19] =	ssyncadd.s32 $0xFFFFFC00  }
0x106: {  	_ =	swait.ge [sflag:s19], $0x400  }
0x107: {  	[sflag:s19] =	ssyncset.done $0x0  }
0x108: {  	[sflag:s19] =	ssyncadd.s32 $0xFFFFFC00  }
0x109: {  	_ =	swait.ge [sflag:s19], $0x400  }
0x10a: {  	[sflag:s19] =	ssyncset.done $0x0  }
0x10b: {  	[sflag:s19] =	ssyncadd.s32 $0xFFFFFC00  }
0x10c: {  	_ =	swait.ge [sflag:s19], $0x400  }
0x10d: {  	[sflag:s19] =	ssyncset.done $0x0  }
0x10e: {  	[sflag:s19] =	ssyncadd.s32 $0xFFFFFC00  }
0x10f: {  	_ =	swait.ge [sflag:s19], $0x400  }
0x110: {  	[sflag:s19] =	ssyncset.done $0x0  }
0x111: {  	[sflag:s19] =	ssyncadd.s32 $0xFFFFFC00  }
0x112: {  	_ =	swait.ge [sflag:s19], $0x400  }
0x113: {  	[sflag:s19] =	ssyncset.done $0x0  }
0x114: {  	[sflag:s19] =	ssyncadd.s32 $0xFFFFFC00  }
0x115: {  	_ =	swait.ge [sflag:s19], $0x400  }
0x116: {  	[sflag:s19] =	ssyncset.done $0x0  }
0x117: {  	[sflag:s19] =	ssyncadd.s32 $0xFFFFFC00  }
0x118: {  	_ =	swait.ge [sflag:s19], $0x400  }
0x119: {  	[sflag:s19] =	ssyncset.done $0x0  }
0x11a: {  	[sflag:s19] =	ssyncadd.s32 $0xFFFFFC00  }
0x11b: {  	_ =	swait.ge [sflag:s19], $0x400  }
0x11c: {  	[sflag:s19] =	ssyncset.done $0x0  }
0x11d: {  	[sflag:s19] =	ssyncadd.s32 $0xFFFFFC00  }
0x11e: {  	_ =	swait.ge [sflag:s19], $0x400  }
0x11f: {  	[sflag:s19] =	ssyncset.done $0x0  }
0x120: {  	[sflag:s19] =	ssyncadd.s32 $0xFFFFFC00  }
0x121: {  	_ =	swait.ge [sflag:s19], $0x400  }
0x122: {  	[sflag:s19] =	ssyncset.done $0x0  }
0x123: {  	[sflag:s19] =	ssyncadd.s32 $0xFFFFFC00  }
0x124: {  	_ =	swait.ge [sflag:s19], $0x400  }
0x125: {  	[sflag:s19] =	ssyncset.done $0x0  }
0x126: {  	[sflag:s19] =	ssyncadd.s32 $0xFFFFFC00  }
0x127: {  	_ =	swait.ge [sflag:s19], $0x400  }
0x128: {  	[sflag:s19] =	ssyncset.done $0x0  }
0x129: {  	[sflag:s19] =	ssyncadd.s32 $0xFFFFFC00  }
0x12a: {  	_ =	swait.ge [sflag:s19], $0x400  }
0x12b: {  	[sflag:s19] =	ssyncset.done $0x0  }
0x12c: {  	[sflag:s19] =	ssyncadd.s32 $0xFFFFFC00  }
0x12d: {  	_ =	swait.ge [sflag:s19], $0x400  }
0x12e: {  	[sflag:s19] =	ssyncset.done $0x0  }
0x12f: {  	[sflag:s19] =	ssyncadd.s32 $0xFFFFFC00  }
0x130: {  	_ =	swait.ge [sflag:s19], $0x400  }
0x131: {  	[sflag:s19] =	ssyncset.done $0x0  }
0x132: {  	[sflag:s19] =	ssyncadd.s32 $0xFFFFFC00  }
0x133: {  	_ =	swait.ge [sflag:s19], $0x400  }
0x134: {  	[sflag:s19] =	ssyncset.done $0x0  }
0x135: {  	[sflag:s19] =	ssyncadd.s32 $0xFFFFFC00  }
0x136: {  	_ =	swait.ge [sflag:s19], $0x400  }
0x137: {  	[sflag:s19] =	ssyncset.done $0x0  }
0x138: {  	[sflag:s19] =	ssyncadd.s32 $0xFFFFFC00  }
0x139: {  	_ =	swait.ge [sflag:s19], $0x400  }
0x13a: {  	[sflag:s19] =	ssyncset.done $0x0  }
0x13b: {  	[sflag:s19] =	ssyncadd.s32 $0xFFFFFC00  }
0x13c: {  	_ =	swait.ge [sflag:s19], $0x400  }
0x13d: {  	[sflag:s19] =	ssyncset.done $0x0  }
0x13e: {  	[sflag:s19] =	ssyncadd.s32 $0xFFFFFC00  }
0x13f: {  	_ =	swait.ge [sflag:s23], $0x6400  }
0x140: {  	[sflag:s23] =	ssyncset.done $0x0  }
0x141: {  	[sflag:s23] =	ssyncadd.s32 $0xFFFF9C00  }
0x142: {  	[bflag:$0x0] =	sbarrier.arrive $0xFFFF  }
0x143: {  	[tilespmem:s14], [sflag:$0x3] =	stream.linear.gather [spmem:s12], $0x620, $0x38;
	[tilespmem:$0x1B9A0] =	vst v63  }
0x144: {  	_ =	swait.ge [sflag:s15], $0x620  }
0x145: {  	[sflag:s15] =	ssyncset.done $0x0  }
0x146: {  	s30 =	sadd.s32 $0x0, s13;
	[sflag:s15] =	ssyncadd.s32 $0xFFFFF9E0  }
0x147: {  	[hbm4b:s30+s4] =	stream.linear.scatter [tilespmem:s14], [sflag:$0x3], $0x620, $0x38;
	[tilespmem:$0x1B9A0] =	vst v63  }
0x148: {  	_ =	swait.ge [sflag:s15], $0x620  }
0x149: {  	s25 =	simm.s32 $0xC4;
	s26 =	smov.u32 s12;
	[sflag:s15] =	ssyncset.done $0x0  }
.LBB2_10:
0x14a: {  	p0 =	sne.s32 s25, $0xB7C;
	[sflag:s15] =	ssyncadd.s32 $0xFFFFF9E0;
	s26 =	sadd.s32 $0x620, s26  }
0x14b: {  	[tilespmem:s14], [sflag:$0x3] =	stream.linear.gather [spmem:s26], $0x620, $0x38;
	[tilespmem:$0x1B9A0] =	vst v63  }
0x14c: {  	s28 =	smov.u32 s25;
	s25 =	sadd.s32 $0xC4, s25;
	_ =	swait.ge [sflag:s15], $0x620  }
.Ltmp4:
0x14d: {  	[sflag:s15] =	ssyncset.done $0x0;
	(pc) =	sbr.rel @p0 .LBB2_10-.Ltmp4, $4  }
0x14e: {  	s28 =	sadd.s32 s28, s13;
	[sflag:s15] =	ssyncadd.s32 $0xFFFFF9E0  }
0x14f: {  	[hbm4b:s28+s4] =	stream.linear.scatter [tilespmem:s14], [sflag:$0x3], $0x620, $0x38;
	[tilespmem:$0x1B9A0] =	vst v63  }
0x150: {  	_ =	swait.ge [sflag:s15], $0x620  }
0x151: {  	[sflag:s15] =	ssyncset.done $0x0  }
0x152: {  	s24 =	sadd.s32 $0x1, s24  }
0x153: {  	p0 =	sne.s32 s24, s10  }
.Ltmp5:
0x154: {  	_ = 	snop;
	(pc) =	sbr.rel @p0 .LBB2_1-.Ltmp5, $2  }
0x155: {  	_ =	sdelay $0x2  }
0x156: {  	[sflag:s15] =	ssyncadd.s32 $0xFFFFF9E0  }
0x157: {  	_ =	sfence.sel $0x180000  }
0x158: {  	[bflag:$0x0] =	sbarrier.arrive $0xFFFF  }
0x159: {  	_ =	strace $0x90000047  }
0x15a: {  	s0 =	stileid.u32;
	[bflag:$0x2] =	sbarrier.arrive $0xFFFF  }
0x15b: {  	p0 =	sne.s32 s0, $0x0;
	s0 =	rddreg [dreg:$0x3]  }
0x15c: {  	s0 =	sadd.s32 @!p0 $0x100000, s0  }
0x15d: {  	[sflag:s0] =	ssyncadd.tile.s32 @!p0 $0x1;
	_ =	shalt  }
.Lfunc_end2:
_tile_overlayer_lowered:
.L_overlay_start_2:
0x15e: {  	(tag) =	ssettag $0x2  }
0x15f: {  	s0 =	rddreg [dreg:$0x0];
	s2 =	stileid.u32  }
0x160: {  	s1 =	rddreg [dreg:$0x1];
	p0 =	sne.s32 s2, $0x0  }
0x161: {  	s3 =	rddreg [dreg:$0x2];
	[bflag:$0x3] =	sbarrier.arrive $0xFFFF;
	s2 =	simm.s32 @!p0 $0x1C03  }
0x162: {  	[timem:s3], [sflag:s2] =	dma.local @!p0 [hbm:s0], s1  }
0x163: {  	s0 =	simm.s32 @!p0 $0x3  }
0x164: {  	_ =	swait.ge @!p0 [sflag:s0], s1  }
0x165: {  	s1 =	ssub.s32 @!p0 $0x0, s1;
	[sflag:s0] =	ssyncset.done @!p0 $0x0  }
0x166: {  	[sflag:s0] =	ssyncadd.s32 @!p0 s1  }
0x167: {  	[bflag:$0x3] =	sbarrier.arrive $0xFFFF  }
0x168: {  	_ =	shalt  }

</sc_bundles>
